<compile_context>
chip_gen: v7x
topology: tpu7x:2x2x1
jax: 0.10.2.dev20260603
libtpu: 0.0.44.dev20260713+nightly
codegen_flags: <defaults>
</compile_context>

<pallas_src>
import functools

import jax
import jax.numpy as jnp
from jax import lax
from jax.experimental import pallas as pl
from jax.experimental.pallas import tpu as pltpu
from jax.experimental.pallas import tpu_sc as plsc

VOCAB = 100000
EMBED_DIM = 128
BATCH = 4096
SEQ = 200

NC, NS, L = 2, 16, 16
NW = NC * NS
B_TOTAL = BATCH * SEQ
B_PER_W = B_TOTAL // NW
GRP = 128
NGRP = B_PER_W // GRP
NBUF = 4
NIT = NGRP // NBUF
SPMEM = (False, True, False, True)
NSP = sum(SPMEM)


@functools.partial(
    pl.kernel,
    out_type=jax.ShapeDtypeStruct((B_TOTAL, EMBED_DIM), jnp.float32),
    mesh=plsc.VectorSubcoreMesh(core_axis_name="c", subcore_axis_name="s"),
    scratch_types=[
        pltpu.VMEM((NGRP, GRP), jnp.int32),
        pltpu.VMEM((NBUF, GRP, EMBED_DIM), jnp.float32),
        pltpu.VMEM_SHARED((NS, max(NSP, 1), GRP, EMBED_DIM), jnp.float32),
    ] + [pltpu.SemaphoreType.DMA] * (3 * NBUF),
)
def _gather_kernel(x_hbm, w_hbm, out_hbm, idx_v, rows_v, sp, *sems):
    sid = lax.axis_index("s")
    wid = sid * NC + lax.axis_index("c")
    base = wid * B_PER_W
    sems_g = sems[0:NBUF]
    sems_w = sems[NBUF:2 * NBUF]
    sems_c = sems[2 * NBUF:3 * NBUF]
    spslot = {}
    for b in range(NBUF):
        if SPMEM[b]:
            spslot[b] = len(spslot)
    pltpu.sync_copy(x_hbm.at[wid], idx_v)

    def fire_g(s, b):
        pltpu.async_copy(w_hbm.at[idx_v.at[s]], rows_v.at[b], sems_g[b])

    def wait_g(b):
        pltpu.make_async_copy(w_hbm.at[idx_v.at[0]], rows_v.at[b],
                              sems_g[b]).wait()

    def out_slice(s):
        return out_hbm.at[pl.ds(base + s * GRP, GRP)]

    def fire_wd(s, b):
        pltpu.async_copy(rows_v.at[b], out_slice(s), sems_w[b])

    def wait_wd(b):
        pltpu.make_async_copy(rows_v.at[b], out_slice(0), sems_w[b]).wait()

    def fire_c(b):
        pltpu.async_copy(rows_v.at[b], sp.at[sid, spslot[b]], sems_c[b])

    def wait_c(b):
        pltpu.make_async_copy(rows_v.at[b], sp.at[sid, spslot[b]],
                              sems_c[b]).wait()

    def fire_ws(s, b):
        pltpu.async_copy(sp.at[sid, spslot[b]], out_slice(s), sems_w[b])

    def wait_ws(b):
        pltpu.make_async_copy(sp.at[sid, spslot[b]], out_slice(0),
                              sems_w[b]).wait()

    for b in range(NBUF - 2):
        fire_g(b, b)

    def it(i, _):
        for j in range(NBUF):
            s = i * NBUF + j
            b2 = (j - 2) % NBUF

            @pl.when(s >= 2)
            def _():
                if SPMEM[b2]:
                    wait_c(b2)
                    fire_ws(s - 2, b2)
                else:
                    wait_wd(b2)

            @pl.when(s - 2 + NBUF < NGRP)
            def _():
                fire_g(s - 2 + NBUF, b2)

            wait_g(j)
            if SPMEM[j]:
                @pl.when(s >= NBUF)
                def _():
                    wait_ws(j)

                fire_c(j)
            else:
                fire_wd(s, j)
        return 0

    lax.fori_loop(0, NIT, it, 0)
    last_a_slots = {(NGRP - 2) % NBUF, (NGRP - 1) % NBUF}
    for b in range(NBUF):
        if SPMEM[b] and ((b + 2) % NBUF) in last_a_slots:
            wait_ws(b)
    for k in range(2):
        b2 = (NGRP - 2 + k) % NBUF
        if SPMEM[b2]:
            wait_c(b2)
            fire_ws(NGRP - 2 + k, b2)
            wait_ws(b2)
        else:
            wait_wd(b2)


def kernel(x, W):
    x3 = x.reshape(NW, NGRP, GRP)
    out = _gather_kernel(x3, W)
    return out.reshape(BATCH, SEQ, EMBED_DIM)

# --- scband reference (transcript-rebuilt; emitter-appended) ---
"""Pipeline reference for scband-embedding-dropout-7576322310815 (READ-ONLY COPY).

The authoritative reference and input builder live on the scoring server;
editing this copy changes nothing except your own understanding.
"""

import jax, jax.numpy as jnp
import numpy as np

VOCAB = 100000
EMBED_DIM = 128
BATCH = 4096
SEQ = 200


def setup_inputs(seed: int = 0) -> dict:
    key = jax.random.key(seed)
    k1, k2 = jax.random.split(key)
    x = jax.random.randint(k1, (BATCH, SEQ), 0, VOCAB, dtype=jnp.int32)
    # Learned (frozen) embedding table, stands in for the concatenated
    # glove+paragram embedding_matrix of shape [max_features, embedding_size].
    W = jax.random.normal(k2, (VOCAB, EMBED_DIM), dtype=jnp.float32)
    return {"x": x, "W": W}


def reference(x, W):
    # h = embedding(x): gather rows of the table  -> [B, S, D]
    h = jnp.take(W, x, axis=0)
    # Original: unsqueeze -> permute(1,3,0,2) -> Dropout2d(0.1) -> permute(2,0,3,1) -> squeeze.
    # The two permutes + unsqueeze/squeeze are exact inverses, and Dropout2d is the
    # identity at inference time, so the faithful eval-mode forward is the gather itself.
    return h

if __name__ == "__main__":
    import jax
    _d = setup_inputs()
    print(jax.jit(kernel)(*tuple(_d.values())))

</pallas_src>

<mosaic_0001>
#map = affine_map<(d0, d1) -> (0, 0, 0)>
#map1 = affine_map<(d0, d1) -> (0, 0)>
module attributes {stable_mosaic.version = 14 : i64} {
  func.func @_gather_kernel(%arg0: i32, %arg1: i32, %arg2: memref<32x200x128xi32, #tpu.memory_space<hbm>>, %arg3: memref<100000x128xf32, #tpu.memory_space<hbm>>, %arg4: memref<819200x128xf32, #tpu.memory_space<hbm>>, %arg5: memref<200x128xi32, #tpu.memory_space<vmem>>, %arg6: memref<4x128x128xf32, #tpu.memory_space<vmem>>, %arg7: memref<16x2x128x128xf32, #tpu.memory_space<vmem_shared>>, %arg8: memref<!tpu.dma_semaphore, #tpu.memory_space<semaphore_mem>>, %arg9: memref<!tpu.dma_semaphore, #tpu.memory_space<semaphore_mem>>, %arg10: memref<!tpu.dma_semaphore, #tpu.memory_space<semaphore_mem>>, %arg11: memref<!tpu.dma_semaphore, #tpu.memory_space<semaphore_mem>>, %arg12: memref<!tpu.dma_semaphore, #tpu.memory_space<semaphore_mem>>, %arg13: memref<!tpu.dma_semaphore, #tpu.memory_space<semaphore_mem>>, %arg14: memref<!tpu.dma_semaphore, #tpu.memory_space<semaphore_mem>>, %arg15: memref<!tpu.dma_semaphore, #tpu.memory_space<semaphore_mem>>, %arg16: memref<!tpu.dma_semaphore, #tpu.memory_space<semaphore_mem>>, %arg17: memref<!tpu.dma_semaphore, #tpu.memory_space<semaphore_mem>>, %arg18: memref<!tpu.dma_semaphore, #tpu.memory_space<semaphore_mem>>, %arg19: memref<!tpu.dma_semaphore, #tpu.memory_space<semaphore_mem>>) attributes {dimension_semantics = [#tpu.dimension_semantics<core_parallel>, #tpu.dimension_semantics<subcore_parallel>], iteration_bounds = array<i64: 2, 16>, scalar_prefetch = 0 : i64, scratch_operands = 15 : i64, tpu.core_type = #tpu.core_type<sc_vector_subcore>, window_params = [{transform_indices = #map}, {transform_indices = #map1}, {transform_indices = #map1}]} {
    %mul3A = arith.constant 2 : i32
    %mul3A_0 = arith.muli %arg1, %mul3A : i32
    %add3A = arith.addi %mul3A_0, %arg0 : i32
    %mul3A_1 = arith.constant 25600 : i32
    %mul3A_2 = arith.muli %add3A, %mul3A_1 : i32
    "tpu.region"() ({
      %run_scoped3A = tpu.sem_alloc : memref<!tpu.dma_semaphore, #tpu.memory_space<semaphore_mem>>
      %dma_start3A_91 = arith.constant 0 : i32
      %dma_start3A_92 = arith.constant 0 : i32
      %dma_start3A_93 = tpu.memref_slice %arg2[%add3A, %dma_start3A_91, %dma_start3A_92] : memref<32x200x128xi32, #tpu.memory_space<hbm>> -> memref<1x200x128xi32, #tpu.memory_space<hbm>>
      %dma_start3A_94 = tpu.memref_squeeze %dma_start3A_93 : memref<1x200x128xi32, #tpu.memory_space<hbm>> -> memref<200x128xi32, #tpu.memory_space<hbm>>
      %dma_start3A_95 = arith.constant 0 : i32
      %dma_start3A_96 = arith.constant 0 : i32
      %dma_start3A_97 = tpu.memref_slice %arg2[%add3A, %dma_start3A_95, %dma_start3A_96] : memref<32x200x128xi32, #tpu.memory_space<hbm>> -> memref<1x200x128xi32, #tpu.memory_space<hbm>>
      %dma_start3A_98 = tpu.memref_squeeze %dma_start3A_97 : memref<1x200x128xi32, #tpu.memory_space<hbm>> -> memref<200x128xi32, #tpu.memory_space<hbm>>
      tpu.enqueue_dma source(%dma_start3A_98 : memref<200x128xi32, #tpu.memory_space<hbm>>) target(%arg5 : memref<200x128xi32, #tpu.memory_space<vmem>>) target_semaphore(%run_scoped3A : memref<!tpu.dma_semaphore, #tpu.memory_space<semaphore_mem>>)
      %dma_wait3A_99 = arith.constant 0 : i32
      %dma_wait3A_100 = arith.constant 0 : i32
      %dma_wait3A_101 = tpu.memref_slice %arg2[%add3A, %dma_wait3A_99, %dma_wait3A_100] : memref<32x200x128xi32, #tpu.memory_space<hbm>> -> memref<1x200x128xi32, #tpu.memory_space<hbm>>
      %dma_wait3A_102 = tpu.memref_squeeze %dma_wait3A_101 : memref<1x200x128xi32, #tpu.memory_space<hbm>> -> memref<200x128xi32, #tpu.memory_space<hbm>>
      %dma_wait3A_103 = arith.constant 0 : i32
      %dma_wait3A_104 = arith.constant 0 : i32
      %dma_wait3A_105 = tpu.memref_slice %arg2[%add3A, %dma_wait3A_103, %dma_wait3A_104] : memref<32x200x128xi32, #tpu.memory_space<hbm>> -> memref<1x200x128xi32, #tpu.memory_space<hbm>>
      %dma_wait3A_106 = tpu.memref_squeeze %dma_wait3A_105 : memref<1x200x128xi32, #tpu.memory_space<hbm>> -> memref<200x128xi32, #tpu.memory_space<hbm>>
      tpu.wait_dma2 semaphore(%run_scoped3A : memref<!tpu.dma_semaphore, #tpu.memory_space<semaphore_mem>>) src(%dma_wait3A_106 : memref<200x128xi32, #tpu.memory_space<hbm>>) dst(%arg5 : memref<200x128xi32, #tpu.memory_space<vmem>>)
      tpu.yield
    }) : () -> ()
    %dma_start3A = arith.constant 0 : i32
    %dma_start3A_3 = arith.constant 0 : i32
    %dma_start3A_4 = arith.constant 0 : i32
    %dma_start3A_5 = arith.constant 0 : i32
    %dma_start3A_6 = tpu.memref_slice %arg6[%dma_start3A_3, %dma_start3A_4, %dma_start3A_5] : memref<4x128x128xf32, #tpu.memory_space<vmem>> -> memref<1x128x128xf32, #tpu.memory_space<vmem>>
    %dma_start3A_7 = tpu.memref_squeeze %dma_start3A_6 : memref<1x128x128xf32, #tpu.memory_space<vmem>> -> memref<128x128xf32, #tpu.memory_space<vmem>>
    %dma_start3A_8 = arith.constant 0 : i32
    %dma_start3A_9 = tpu.memref_slice %arg5[%dma_start3A, %dma_start3A_8] : memref<200x128xi32, #tpu.memory_space<vmem>> -> memref<1x128xi32, #tpu.memory_space<vmem>>
    %dma_start3A_10 = tpu.memref_squeeze %dma_start3A_9 : memref<1x128xi32, #tpu.memory_space<vmem>> -> memref<128xi32, #tpu.memory_space<vmem>>
    %dma_start3A_11 = arith.constant 0 : i32
    %dma_start3A_12 = arith.constant 0 : i32
    %dma_start3A_13 = tpu.memref_slice %arg3[%dma_start3A_11, %dma_start3A_12] : memref<100000x128xf32, #tpu.memory_space<hbm>> -> memref<100000x128xf32, #tpu.memory_space<hbm>>
    tpu.enqueue_indirect_dma source(%dma_start3A_13 : memref<100000x128xf32, #tpu.memory_space<hbm>>) target(%dma_start3A_7 : memref<128x128xf32, #tpu.memory_space<vmem>>) offsets(%dma_start3A_10 : memref<128xi32, #tpu.memory_space<vmem>>) semaphore(%arg8 : memref<!tpu.dma_semaphore, #tpu.memory_space<semaphore_mem>>)
    %dma_start3A_14 = arith.constant 1 : i32
    %dma_start3A_15 = arith.constant 1 : i32
    %dma_start3A_16 = arith.constant 0 : i32
    %dma_start3A_17 = arith.constant 0 : i32
    %dma_start3A_18 = tpu.memref_slice %arg6[%dma_start3A_15, %dma_start3A_16, %dma_start3A_17] : memref<4x128x128xf32, #tpu.memory_space<vmem>> -> memref<1x128x128xf32, #tpu.memory_space<vmem>>
    %dma_start3A_19 = tpu.memref_squeeze %dma_start3A_18 : memref<1x128x128xf32, #tpu.memory_space<vmem>> -> memref<128x128xf32, #tpu.memory_space<vmem>>
    %dma_start3A_20 = arith.constant 0 : i32
    %dma_start3A_21 = tpu.memref_slice %arg5[%dma_start3A_14, %dma_start3A_20] : memref<200x128xi32, #tpu.memory_space<vmem>> -> memref<1x128xi32, #tpu.memory_space<vmem>>
    %dma_start3A_22 = tpu.memref_squeeze %dma_start3A_21 : memref<1x128xi32, #tpu.memory_space<vmem>> -> memref<128xi32, #tpu.memory_space<vmem>>
    %dma_start3A_23 = arith.constant 0 : i32
    %dma_start3A_24 = arith.constant 0 : i32
    %dma_start3A_25 = tpu.memref_slice %arg3[%dma_start3A_23, %dma_start3A_24] : memref<100000x128xf32, #tpu.memory_space<hbm>> -> memref<100000x128xf32, #tpu.memory_space<hbm>>
    tpu.enqueue_indirect_dma source(%dma_start3A_25 : memref<100000x128xf32, #tpu.memory_space<hbm>>) target(%dma_start3A_19 : memref<128x128xf32, #tpu.memory_space<vmem>>) offsets(%dma_start3A_22 : memref<128xi32, #tpu.memory_space<vmem>>) semaphore(%arg9 : memref<!tpu.dma_semaphore, #tpu.memory_space<semaphore_mem>>)
    %scan3A = arith.constant 0 : i32
    %scan3A_26 = arith.constant 0 : i32
    %scan3A_27 = arith.constant 50 : i32
    %scan3A_28 = arith.addi %scan3A_26, %scan3A_27 : i32
    %scan3A_29 = arith.constant 1 : i32
    %scan3A_30 = scf.for %scan3A_91 = %scan3A_26 to %scan3A_28 step %scan3A_29 iter_args(%scan3A_92 = %scan3A) -> (i32)  : i32 {
      %mul3A_93 = arith.constant 4 : i32
      %mul3A_94 = arith.muli %scan3A_91, %mul3A_93 : i32
      %add3A_95 = arith.constant 0 : i32
      %add3A_96 = arith.addi %mul3A_94, %add3A_95 : i32
      %ge3A = arith.constant 2 : i32
      %ge3A_97 = arith.cmpi sge, %add3A_96, %ge3A : i32
      %convert_element_type3A = arith.extui %ge3A_97 : i1 to i32
      %cond3A = arith.constant 0 : i32
      %cond3A_98 = arith.cmpi ne, %convert_element_type3A, %cond3A : i32
      scf.if %cond3A_98 {
        %add3A_287 = arith.constant 0 : i32
        %add3A_288 = arith.addi %mul3A_2, %add3A_287 : i32
        %dma_wait3A_289 = arith.constant 2 : i32
        %dma_wait3A_290 = arith.constant 0 : i32
        %dma_wait3A_291 = arith.constant 0 : i32
        %dma_wait3A_292 = tpu.memref_slice %arg6[%dma_wait3A_289, %dma_wait3A_290, %dma_wait3A_291] : memref<4x128x128xf32, #tpu.memory_space<vmem>> -> memref<1x128x128xf32, #tpu.memory_space<vmem>>
        %dma_wait3A_293 = tpu.memref_squeeze %dma_wait3A_292 : memref<1x128x128xf32, #tpu.memory_space<vmem>> -> memref<128x128xf32, #tpu.memory_space<vmem>>
        %dma_wait3A_294 = arith.constant 0 : i32
        %dma_wait3A_295 = tpu.memref_slice %arg4[%add3A_288, %dma_wait3A_294] : memref<819200x128xf32, #tpu.memory_space<hbm>> -> memref<128x128xf32, #tpu.memory_space<hbm>>
        %dma_wait3A_296 = arith.constant 0 : i32
        %dma_wait3A_297 = tpu.memref_slice %arg4[%add3A_288, %dma_wait3A_296] : memref<819200x128xf32, #tpu.memory_space<hbm>> -> memref<128x128xf32, #tpu.memory_space<hbm>>
        %dma_wait3A_298 = arith.constant 0 : i32
        %dma_wait3A_299 = arith.constant 0 : i32
        %dma_wait3A_300 = tpu.memref_slice %arg6[%dma_wait3A_289, %dma_wait3A_298, %dma_wait3A_299] : memref<4x128x128xf32, #tpu.memory_space<vmem>> -> memref<1x128x128xf32, #tpu.memory_space<vmem>>
        %dma_wait3A_301 = tpu.memref_squeeze %dma_wait3A_300 : memref<1x128x128xf32, #tpu.memory_space<vmem>> -> memref<128x128xf32, #tpu.memory_space<vmem>>
        tpu.wait_dma2 semaphore(%arg14 : memref<!tpu.dma_semaphore, #tpu.memory_space<semaphore_mem>>) src(%dma_wait3A_301 : memref<128x128xf32, #tpu.memory_space<vmem>>) dst(%dma_wait3A_297 : memref<128x128xf32, #tpu.memory_space<hbm>>)
      } else {
      }
      %sub3A = arith.constant 2 : i32
      %sub3A_99 = arith.subi %add3A_96, %sub3A : i32
      %add3A_100 = arith.constant 4 : i32
      %add3A_101 = arith.addi %sub3A_99, %add3A_100 : i32
      %lt3A = arith.constant 200 : i32
      %lt3A_102 = arith.cmpi slt, %add3A_101, %lt3A : i32
      %convert_element_type3A_103 = arith.extui %lt3A_102 : i1 to i32
      %cond3A_104 = arith.constant 0 : i32
      %cond3A_105 = arith.cmpi ne, %convert_element_type3A_103, %cond3A_104 : i32
      scf.if %cond3A_105 {
        %sub3A_287 = arith.constant 2 : i32
        %sub3A_288 = arith.subi %add3A_96, %sub3A_287 : i32
        %add3A_289 = arith.constant 4 : i32
        %add3A_290 = arith.addi %sub3A_288, %add3A_289 : i32
        %dma_start3A_291 = arith.constant 2 : i32
        %dma_start3A_292 = arith.constant 0 : i32
        %dma_start3A_293 = arith.constant 0 : i32
        %dma_start3A_294 = tpu.memref_slice %arg6[%dma_start3A_291, %dma_start3A_292, %dma_start3A_293] : memref<4x128x128xf32, #tpu.memory_space<vmem>> -> memref<1x128x128xf32, #tpu.memory_space<vmem>>
        %dma_start3A_295 = tpu.memref_squeeze %dma_start3A_294 : memref<1x128x128xf32, #tpu.memory_space<vmem>> -> memref<128x128xf32, #tpu.memory_space<vmem>>
        %dma_start3A_296 = arith.constant 0 : i32
        %dma_start3A_297 = tpu.memref_slice %arg5[%add3A_290, %dma_start3A_296] : memref<200x128xi32, #tpu.memory_space<vmem>> -> memref<1x128xi32, #tpu.memory_space<vmem>>
        %dma_start3A_298 = tpu.memref_squeeze %dma_start3A_297 : memref<1x128xi32, #tpu.memory_space<vmem>> -> memref<128xi32, #tpu.memory_space<vmem>>
        %dma_start3A_299 = arith.constant 0 : i32
        %dma_start3A_300 = arith.constant 0 : i32
        %dma_start3A_301 = tpu.memref_slice %arg3[%dma_start3A_299, %dma_start3A_300] : memref<100000x128xf32, #tpu.memory_space<hbm>> -> memref<100000x128xf32, #tpu.memory_space<hbm>>
        tpu.enqueue_indirect_dma source(%dma_start3A_301 : memref<100000x128xf32, #tpu.memory_space<hbm>>) target(%dma_start3A_295 : memref<128x128xf32, #tpu.memory_space<vmem>>) offsets(%dma_start3A_298 : memref<128xi32, #tpu.memory_space<vmem>>) semaphore(%arg10 : memref<!tpu.dma_semaphore, #tpu.memory_space<semaphore_mem>>)
      } else {
      }
      %dma_wait3A_106 = arith.constant 0 : i32
      %dma_wait3A_107 = arith.constant 0 : i32
      %dma_wait3A_108 = arith.constant 0 : i32
      %dma_wait3A_109 = arith.constant 0 : i32
      %dma_wait3A_110 = tpu.memref_slice %arg6[%dma_wait3A_107, %dma_wait3A_108, %dma_wait3A_109] : memref<4x128x128xf32, #tpu.memory_space<vmem>> -> memref<1x128x128xf32, #tpu.memory_space<vmem>>
      %dma_wait3A_111 = tpu.memref_squeeze %dma_wait3A_110 : memref<1x128x128xf32, #tpu.memory_space<vmem>> -> memref<128x128xf32, #tpu.memory_space<vmem>>
      %dma_wait3A_112 = arith.constant 0 : i32
      %dma_wait3A_113 = tpu.memref_slice %arg5[%dma_wait3A_106, %dma_wait3A_112] : memref<200x128xi32, #tpu.memory_space<vmem>> -> memref<1x128xi32, #tpu.memory_space<vmem>>
      %dma_wait3A_114 = tpu.memref_squeeze %dma_wait3A_113 : memref<1x128xi32, #tpu.memory_space<vmem>> -> memref<128xi32, #tpu.memory_space<vmem>>
      %dma_wait3A_115 = arith.constant 0 : i32
      %dma_wait3A_116 = arith.constant 0 : i32
      %dma_wait3A_117 = tpu.memref_slice %arg3[%dma_wait3A_115, %dma_wait3A_116] : memref<100000x128xf32, #tpu.memory_space<hbm>> -> memref<100000x128xf32, #tpu.memory_space<hbm>>
      tpu.wait_indirect_dma semaphore(%arg8 : memref<!tpu.dma_semaphore, #tpu.memory_space<semaphore_mem>>) src(%dma_wait3A_117 : memref<100000x128xf32, #tpu.memory_space<hbm>>) dst(%dma_wait3A_111 : memref<128x128xf32, #tpu.memory_space<vmem>>)
      %mul3A_118 = arith.constant 128 : i32
      %mul3A_119 = arith.muli %add3A_96, %mul3A_118 : i32
      %add3A_120 = arith.addi %mul3A_2, %mul3A_119 : i32
      %dma_start3A_121 = arith.constant 0 : i32
      %dma_start3A_122 = arith.constant 0 : i32
      %dma_start3A_123 = arith.constant 0 : i32
      %dma_start3A_124 = tpu.memref_slice %arg6[%dma_start3A_121, %dma_start3A_122, %dma_start3A_123] : memref<4x128x128xf32, #tpu.memory_space<vmem>> -> memref<1x128x128xf32, #tpu.memory_space<vmem>>
      %dma_start3A_125 = tpu.memref_squeeze %dma_start3A_124 : memref<1x128x128xf32, #tpu.memory_space<vmem>> -> memref<128x128xf32, #tpu.memory_space<vmem>>
      %dma_start3A_126 = arith.constant 0 : i32
      %dma_start3A_127 = tpu.memref_slice %arg4[%add3A_120, %dma_start3A_126] : memref<819200x128xf32, #tpu.memory_space<hbm>> -> memref<128x128xf32, #tpu.memory_space<hbm>>
      %dma_start3A_128 = arith.constant 0 : i32
      %dma_start3A_129 = tpu.memref_slice %arg4[%add3A_120, %dma_start3A_128] : memref<819200x128xf32, #tpu.memory_space<hbm>> -> memref<128x128xf32, #tpu.memory_space<hbm>>
      %dma_start3A_130 = arith.constant 0 : i32
      %dma_start3A_131 = arith.constant 0 : i32
      %dma_start3A_132 = tpu.memref_slice %arg6[%dma_start3A_121, %dma_start3A_130, %dma_start3A_131] : memref<4x128x128xf32, #tpu.memory_space<vmem>> -> memref<1x128x128xf32, #tpu.memory_space<vmem>>
      %dma_start3A_133 = tpu.memref_squeeze %dma_start3A_132 : memref<1x128x128xf32, #tpu.memory_space<vmem>> -> memref<128x128xf32, #tpu.memory_space<vmem>>
      tpu.enqueue_dma source(%dma_start3A_133 : memref<128x128xf32, #tpu.memory_space<vmem>>) target(%dma_start3A_129 : memref<128x128xf32, #tpu.memory_space<hbm>>) target_semaphore(%arg12 : memref<!tpu.dma_semaphore, #tpu.memory_space<semaphore_mem>>)
      %mul3A_134 = arith.constant 4 : i32
      %mul3A_135 = arith.muli %scan3A_91, %mul3A_134 : i32
      %add3A_136 = arith.constant 1 : i32
      %add3A_137 = arith.addi %mul3A_135, %add3A_136 : i32
      %ge3A_138 = arith.constant 2 : i32
      %ge3A_139 = arith.cmpi sge, %add3A_137, %ge3A_138 : i32
      %convert_element_type3A_140 = arith.extui %ge3A_139 : i1 to i32
      %cond3A_141 = arith.constant 0 : i32
      %cond3A_142 = arith.cmpi ne, %convert_element_type3A_140, %cond3A_141 : i32
      scf.if %cond3A_142 {
        %dma_wait3A_287 = arith.constant 3 : i32
        %dma_wait3A_288 = arith.constant 1 : i32
        %dma_wait3A_289 = arith.constant 0 : i32
        %dma_wait3A_290 = arith.constant 0 : i32
        %dma_wait3A_291 = tpu.memref_slice %arg6[%dma_wait3A_287, %dma_wait3A_289, %dma_wait3A_290] : memref<4x128x128xf32, #tpu.memory_space<vmem>> -> memref<1x128x128xf32, #tpu.memory_space<vmem>>
        %dma_wait3A_292 = tpu.memref_squeeze %dma_wait3A_291 : memref<1x128x128xf32, #tpu.memory_space<vmem>> -> memref<128x128xf32, #tpu.memory_space<vmem>>
        %dma_wait3A_293 = arith.constant 0 : i32
        %dma_wait3A_294 = arith.constant 0 : i32
        %dma_wait3A_295 = tpu.memref_slice %arg7[%arg1, %dma_wait3A_288, %dma_wait3A_293, %dma_wait3A_294] : memref<16x2x128x128xf32, #tpu.memory_space<vmem_shared>> -> memref<1x1x128x128xf32, #tpu.memory_space<vmem_shared>>
        %dma_wait3A_296 = tpu.memref_squeeze %dma_wait3A_295 : memref<1x1x128x128xf32, #tpu.memory_space<vmem_shared>> -> memref<128x128xf32, #tpu.memory_space<vmem_shared>>
        %dma_wait3A_297 = arith.constant 0 : i32
        %dma_wait3A_298 = arith.constant 0 : i32
        %dma_wait3A_299 = tpu.memref_slice %arg7[%arg1, %dma_wait3A_288, %dma_wait3A_297, %dma_wait3A_298] : memref<16x2x128x128xf32, #tpu.memory_space<vmem_shared>> -> memref<1x1x128x128xf32, #tpu.memory_space<vmem_shared>>
        %dma_wait3A_300 = tpu.memref_squeeze %dma_wait3A_299 : memref<1x1x128x128xf32, #tpu.memory_space<vmem_shared>> -> memref<128x128xf32, #tpu.memory_space<vmem_shared>>
        %dma_wait3A_301 = arith.constant 0 : i32
        %dma_wait3A_302 = arith.constant 0 : i32
        %dma_wait3A_303 = tpu.memref_slice %arg6[%dma_wait3A_287, %dma_wait3A_301, %dma_wait3A_302] : memref<4x128x128xf32, #tpu.memory_space<vmem>> -> memref<1x128x128xf32, #tpu.memory_space<vmem>>
        %dma_wait3A_304 = tpu.memref_squeeze %dma_wait3A_303 : memref<1x128x128xf32, #tpu.memory_space<vmem>> -> memref<128x128xf32, #tpu.memory_space<vmem>>
        tpu.wait_dma2 semaphore(%arg19 : memref<!tpu.dma_semaphore, #tpu.memory_space<semaphore_mem>>) src(%dma_wait3A_304 : memref<128x128xf32, #tpu.memory_space<vmem>>) dst(%dma_wait3A_300 : memref<128x128xf32, #tpu.memory_space<vmem_shared>>)
        %sub3A_305 = arith.constant 2 : i32
        %sub3A_306 = arith.subi %add3A_137, %sub3A_305 : i32
        %mul3A_307 = arith.constant 128 : i32
        %mul3A_308 = arith.muli %sub3A_306, %mul3A_307 : i32
        %add3A_309 = arith.addi %mul3A_2, %mul3A_308 : i32
        %dma_start3A_310 = arith.constant 1 : i32
        %dma_start3A_311 = arith.constant 0 : i32
        %dma_start3A_312 = tpu.memref_slice %arg4[%add3A_309, %dma_start3A_311] : memref<819200x128xf32, #tpu.memory_space<hbm>> -> memref<128x128xf32, #tpu.memory_space<hbm>>
        %dma_start3A_313 = arith.constant 0 : i32
        %dma_start3A_314 = arith.constant 0 : i32
        %dma_start3A_315 = tpu.memref_slice %arg7[%arg1, %dma_start3A_310, %dma_start3A_313, %dma_start3A_314] : memref<16x2x128x128xf32, #tpu.memory_space<vmem_shared>> -> memref<1x1x128x128xf32, #tpu.memory_space<vmem_shared>>
        %dma_start3A_316 = tpu.memref_squeeze %dma_start3A_315 : memref<1x1x128x128xf32, #tpu.memory_space<vmem_shared>> -> memref<128x128xf32, #tpu.memory_space<vmem_shared>>
        tpu.enqueue_dma source(%dma_start3A_316 : memref<128x128xf32, #tpu.memory_space<vmem_shared>>) target(%dma_start3A_312 : memref<128x128xf32, #tpu.memory_space<hbm>>) target_semaphore(%arg15 : memref<!tpu.dma_semaphore, #tpu.memory_space<semaphore_mem>>)
      } else {
      }
      %sub3A_143 = arith.constant 2 : i32
      %sub3A_144 = arith.subi %add3A_137, %sub3A_143 : i32
      %add3A_145 = arith.constant 4 : i32
      %add3A_146 = arith.addi %sub3A_144, %add3A_145 : i32
      %lt3A_147 = arith.constant 200 : i32
      %lt3A_148 = arith.cmpi slt, %add3A_146, %lt3A_147 : i32
      %convert_element_type3A_149 = arith.extui %lt3A_148 : i1 to i32
      %cond3A_150 = arith.constant 0 : i32
      %cond3A_151 = arith.cmpi ne, %convert_element_type3A_149, %cond3A_150 : i32
      scf.if %cond3A_151 {
        %sub3A_287 = arith.constant 2 : i32
        %sub3A_288 = arith.subi %add3A_137, %sub3A_287 : i32
        %add3A_289 = arith.constant 4 : i32
        %add3A_290 = arith.addi %sub3A_288, %add3A_289 : i32
        %dma_start3A_291 = arith.constant 3 : i32
        %dma_start3A_292 = arith.constant 0 : i32
        %dma_start3A_293 = arith.constant 0 : i32
        %dma_start3A_294 = tpu.memref_slice %arg6[%dma_start3A_291, %dma_start3A_292, %dma_start3A_293] : memref<4x128x128xf32, #tpu.memory_space<vmem>> -> memref<1x128x128xf32, #tpu.memory_space<vmem>>
        %dma_start3A_295 = tpu.memref_squeeze %dma_start3A_294 : memref<1x128x128xf32, #tpu.memory_space<vmem>> -> memref<128x128xf32, #tpu.memory_space<vmem>>
        %dma_start3A_296 = arith.constant 0 : i32
        %dma_start3A_297 = tpu.memref_slice %arg5[%add3A_290, %dma_start3A_296] : memref<200x128xi32, #tpu.memory_space<vmem>> -> memref<1x128xi32, #tpu.memory_space<vmem>>
        %dma_start3A_298 = tpu.memref_squeeze %dma_start3A_297 : memref<1x128xi32, #tpu.memory_space<vmem>> -> memref<128xi32, #tpu.memory_space<vmem>>
        %dma_start3A_299 = arith.constant 0 : i32
        %dma_start3A_300 = arith.constant 0 : i32
        %dma_start3A_301 = tpu.memref_slice %arg3[%dma_start3A_299, %dma_start3A_300] : memref<100000x128xf32, #tpu.memory_space<hbm>> -> memref<100000x128xf32, #tpu.memory_space<hbm>>
        tpu.enqueue_indirect_dma source(%dma_start3A_301 : memref<100000x128xf32, #tpu.memory_space<hbm>>) target(%dma_start3A_295 : memref<128x128xf32, #tpu.memory_space<vmem>>) offsets(%dma_start3A_298 : memref<128xi32, #tpu.memory_space<vmem>>) semaphore(%arg11 : memref<!tpu.dma_semaphore, #tpu.memory_space<semaphore_mem>>)
      } else {
      }
      %dma_wait3A_152 = arith.constant 0 : i32
      %dma_wait3A_153 = arith.constant 1 : i32
      %dma_wait3A_154 = arith.constant 0 : i32
      %dma_wait3A_155 = arith.constant 0 : i32
      %dma_wait3A_156 = tpu.memref_slice %arg6[%dma_wait3A_153, %dma_wait3A_154, %dma_wait3A_155] : memref<4x128x128xf32, #tpu.memory_space<vmem>> -> memref<1x128x128xf32, #tpu.memory_space<vmem>>
      %dma_wait3A_157 = tpu.memref_squeeze %dma_wait3A_156 : memref<1x128x128xf32, #tpu.memory_space<vmem>> -> memref<128x128xf32, #tpu.memory_space<vmem>>
      %dma_wait3A_158 = arith.constant 0 : i32
      %dma_wait3A_159 = tpu.memref_slice %arg5[%dma_wait3A_152, %dma_wait3A_158] : memref<200x128xi32, #tpu.memory_space<vmem>> -> memref<1x128xi32, #tpu.memory_space<vmem>>
      %dma_wait3A_160 = tpu.memref_squeeze %dma_wait3A_159 : memref<1x128xi32, #tpu.memory_space<vmem>> -> memref<128xi32, #tpu.memory_space<vmem>>
      %dma_wait3A_161 = arith.constant 0 : i32
      %dma_wait3A_162 = arith.constant 0 : i32
      %dma_wait3A_163 = tpu.memref_slice %arg3[%dma_wait3A_161, %dma_wait3A_162] : memref<100000x128xf32, #tpu.memory_space<hbm>> -> memref<100000x128xf32, #tpu.memory_space<hbm>>
      tpu.wait_indirect_dma semaphore(%arg9 : memref<!tpu.dma_semaphore, #tpu.memory_space<semaphore_mem>>) src(%dma_wait3A_163 : memref<100000x128xf32, #tpu.memory_space<hbm>>) dst(%dma_wait3A_157 : memref<128x128xf32, #tpu.memory_space<vmem>>)
      %ge3A_164 = arith.constant 4 : i32
      %ge3A_165 = arith.cmpi sge, %add3A_137, %ge3A_164 : i32
      %convert_element_type3A_166 = arith.extui %ge3A_165 : i1 to i32
      %cond3A_167 = arith.constant 0 : i32
      %cond3A_168 = arith.cmpi ne, %convert_element_type3A_166, %cond3A_167 : i32
      scf.if %cond3A_168 {
        %add3A_287 = arith.constant 0 : i32
        %add3A_288 = arith.addi %mul3A_2, %add3A_287 : i32
        %dma_wait3A_289 = arith.constant 0 : i32
        %dma_wait3A_290 = arith.constant 0 : i32
        %dma_wait3A_291 = tpu.memref_slice %arg4[%add3A_288, %dma_wait3A_290] : memref<819200x128xf32, #tpu.memory_space<hbm>> -> memref<128x128xf32, #tpu.memory_space<hbm>>
        %dma_wait3A_292 = arith.constant 0 : i32
        %dma_wait3A_293 = arith.constant 0 : i32
        %dma_wait3A_294 = tpu.memref_slice %arg7[%arg1, %dma_wait3A_289, %dma_wait3A_292, %dma_wait3A_293] : memref<16x2x128x128xf32, #tpu.memory_space<vmem_shared>> -> memref<1x1x128x128xf32, #tpu.memory_space<vmem_shared>>
        %dma_wait3A_295 = tpu.memref_squeeze %dma_wait3A_294 : memref<1x1x128x128xf32, #tpu.memory_space<vmem_shared>> -> memref<128x128xf32, #tpu.memory_space<vmem_shared>>
        tpu.wait_dma2 semaphore(%arg13 : memref<!tpu.dma_semaphore, #tpu.memory_space<semaphore_mem>>) src(%dma_wait3A_295 : memref<128x128xf32, #tpu.memory_space<vmem_shared>>) dst(%dma_wait3A_291 : memref<128x128xf32, #tpu.memory_space<hbm>>)
      } else {
      }
      %dma_start3A_169 = arith.constant 1 : i32
      %dma_start3A_170 = arith.constant 0 : i32
      %dma_start3A_171 = arith.constant 0 : i32
      %dma_start3A_172 = arith.constant 0 : i32
      %dma_start3A_173 = tpu.memref_slice %arg6[%dma_start3A_169, %dma_start3A_171, %dma_start3A_172] : memref<4x128x128xf32, #tpu.memory_space<vmem>> -> memref<1x128x128xf32, #tpu.memory_space<vmem>>
      %dma_start3A_174 = tpu.memref_squeeze %dma_start3A_173 : memref<1x128x128xf32, #tpu.memory_space<vmem>> -> memref<128x128xf32, #tpu.memory_space<vmem>>
      %dma_start3A_175 = arith.constant 0 : i32
      %dma_start3A_176 = arith.constant 0 : i32
      %dma_start3A_177 = tpu.memref_slice %arg7[%arg1, %dma_start3A_170, %dma_start3A_175, %dma_start3A_176] : memref<16x2x128x128xf32, #tpu.memory_space<vmem_shared>> -> memref<1x1x128x128xf32, #tpu.memory_space<vmem_shared>>
      %dma_start3A_178 = tpu.memref_squeeze %dma_start3A_177 : memref<1x1x128x128xf32, #tpu.memory_space<vmem_shared>> -> memref<128x128xf32, #tpu.memory_space<vmem_shared>>
      %dma_start3A_179 = arith.constant 0 : i32
      %dma_start3A_180 = arith.constant 0 : i32
      %dma_start3A_181 = tpu.memref_slice %arg7[%arg1, %dma_start3A_170, %dma_start3A_179, %dma_start3A_180] : memref<16x2x128x128xf32, #tpu.memory_space<vmem_shared>> -> memref<1x1x128x128xf32, #tpu.memory_space<vmem_shared>>
      %dma_start3A_182 = tpu.memref_squeeze %dma_start3A_181 : memref<1x1x128x128xf32, #tpu.memory_space<vmem_shared>> -> memref<128x128xf32, #tpu.memory_space<vmem_shared>>
      %dma_start3A_183 = arith.constant 0 : i32
      %dma_start3A_184 = arith.constant 0 : i32
      %dma_start3A_185 = tpu.memref_slice %arg6[%dma_start3A_169, %dma_start3A_183, %dma_start3A_184] : memref<4x128x128xf32, #tpu.memory_space<vmem>> -> memref<1x128x128xf32, #tpu.memory_space<vmem>>
      %dma_start3A_186 = tpu.memref_squeeze %dma_start3A_185 : memref<1x128x128xf32, #tpu.memory_space<vmem>> -> memref<128x128xf32, #tpu.memory_space<vmem>>
      tpu.enqueue_dma source(%dma_start3A_186 : memref<128x128xf32, #tpu.memory_space<vmem>>) target(%dma_start3A_182 : memref<128x128xf32, #tpu.memory_space<vmem_shared>>) target_semaphore(%arg17 : memref<!tpu.dma_semaphore, #tpu.memory_space<semaphore_mem>>)
      %mul3A_187 = arith.constant 4 : i32
      %mul3A_188 = arith.muli %scan3A_91, %mul3A_187 : i32
      %add3A_189 = arith.constant 2 : i32
      %add3A_190 = arith.addi %mul3A_188, %add3A_189 : i32
      %ge3A_191 = arith.constant 2 : i32
      %ge3A_192 = arith.cmpi sge, %add3A_190, %ge3A_191 : i32
      %convert_element_type3A_193 = arith.extui %ge3A_192 : i1 to i32
      %cond3A_194 = arith.constant 0 : i32
      %cond3A_195 = arith.cmpi ne, %convert_element_type3A_193, %cond3A_194 : i32
      scf.if %cond3A_195 {
        %add3A_287 = arith.constant 0 : i32
        %add3A_288 = arith.addi %mul3A_2, %add3A_287 : i32
        %dma_wait3A_289 = arith.constant 0 : i32
        %dma_wait3A_290 = arith.constant 0 : i32
        %dma_wait3A_291 = arith.constant 0 : i32
        %dma_wait3A_292 = tpu.memref_slice %arg6[%dma_wait3A_289, %dma_wait3A_290, %dma_wait3A_291] : memref<4x128x128xf32, #tpu.memory_space<vmem>> -> memref<1x128x128xf32, #tpu.memory_space<vmem>>
        %dma_wait3A_293 = tpu.memref_squeeze %dma_wait3A_292 : memref<1x128x128xf32, #tpu.memory_space<vmem>> -> memref<128x128xf32, #tpu.memory_space<vmem>>
        %dma_wait3A_294 = arith.constant 0 : i32
        %dma_wait3A_295 = tpu.memref_slice %arg4[%add3A_288, %dma_wait3A_294] : memref<819200x128xf32, #tpu.memory_space<hbm>> -> memref<128x128xf32, #tpu.memory_space<hbm>>
        %dma_wait3A_296 = arith.constant 0 : i32
        %dma_wait3A_297 = tpu.memref_slice %arg4[%add3A_288, %dma_wait3A_296] : memref<819200x128xf32, #tpu.memory_space<hbm>> -> memref<128x128xf32, #tpu.memory_space<hbm>>
        %dma_wait3A_298 = arith.constant 0 : i32
        %dma_wait3A_299 = arith.constant 0 : i32
        %dma_wait3A_300 = tpu.memref_slice %arg6[%dma_wait3A_289, %dma_wait3A_298, %dma_wait3A_299] : memref<4x128x128xf32, #tpu.memory_space<vmem>> -> memref<1x128x128xf32, #tpu.memory_space<vmem>>
        %dma_wait3A_301 = tpu.memref_squeeze %dma_wait3A_300 : memref<1x128x128xf32, #tpu.memory_space<vmem>> -> memref<128x128xf32, #tpu.memory_space<vmem>>
        tpu.wait_dma2 semaphore(%arg12 : memref<!tpu.dma_semaphore, #tpu.memory_space<semaphore_mem>>) src(%dma_wait3A_301 : memref<128x128xf32, #tpu.memory_space<vmem>>) dst(%dma_wait3A_297 : memref<128x128xf32, #tpu.memory_space<hbm>>)
      } else {
      }
      %sub3A_196 = arith.constant 2 : i32
      %sub3A_197 = arith.subi %add3A_190, %sub3A_196 : i32
      %add3A_198 = arith.constant 4 : i32
      %add3A_199 = arith.addi %sub3A_197, %add3A_198 : i32
      %lt3A_200 = arith.constant 200 : i32
      %lt3A_201 = arith.cmpi slt, %add3A_199, %lt3A_200 : i32
      %convert_element_type3A_202 = arith.extui %lt3A_201 : i1 to i32
      %cond3A_203 = arith.constant 0 : i32
      %cond3A_204 = arith.cmpi ne, %convert_element_type3A_202, %cond3A_203 : i32
      scf.if %cond3A_204 {
        %sub3A_287 = arith.constant 2 : i32
        %sub3A_288 = arith.subi %add3A_190, %sub3A_287 : i32
        %add3A_289 = arith.constant 4 : i32
        %add3A_290 = arith.addi %sub3A_288, %add3A_289 : i32
        %dma_start3A_291 = arith.constant 0 : i32
        %dma_start3A_292 = arith.constant 0 : i32
        %dma_start3A_293 = arith.constant 0 : i32
        %dma_start3A_294 = tpu.memref_slice %arg6[%dma_start3A_291, %dma_start3A_292, %dma_start3A_293] : memref<4x128x128xf32, #tpu.memory_space<vmem>> -> memref<1x128x128xf32, #tpu.memory_space<vmem>>
        %dma_start3A_295 = tpu.memref_squeeze %dma_start3A_294 : memref<1x128x128xf32, #tpu.memory_space<vmem>> -> memref<128x128xf32, #tpu.memory_space<vmem>>
        %dma_start3A_296 = arith.constant 0 : i32
        %dma_start3A_297 = tpu.memref_slice %arg5[%add3A_290, %dma_start3A_296] : memref<200x128xi32, #tpu.memory_space<vmem>> -> memref<1x128xi32, #tpu.memory_space<vmem>>
        %dma_start3A_298 = tpu.memref_squeeze %dma_start3A_297 : memref<1x128xi32, #tpu.memory_space<vmem>> -> memref<128xi32, #tpu.memory_space<vmem>>
        %dma_start3A_299 = arith.constant 0 : i32
        %dma_start3A_300 = arith.constant 0 : i32
        %dma_start3A_301 = tpu.memref_slice %arg3[%dma_start3A_299, %dma_start3A_300] : memref<100000x128xf32, #tpu.memory_space<hbm>> -> memref<100000x128xf32, #tpu.memory_space<hbm>>
        tpu.enqueue_indirect_dma source(%dma_start3A_301 : memref<100000x128xf32, #tpu.memory_space<hbm>>) target(%dma_start3A_295 : memref<128x128xf32, #tpu.memory_space<vmem>>) offsets(%dma_start3A_298 : memref<128xi32, #tpu.memory_space<vmem>>) semaphore(%arg8 : memref<!tpu.dma_semaphore, #tpu.memory_space<semaphore_mem>>)
      } else {
      }
      %dma_wait3A_205 = arith.constant 0 : i32
      %dma_wait3A_206 = arith.constant 2 : i32
      %dma_wait3A_207 = arith.constant 0 : i32
      %dma_wait3A_208 = arith.constant 0 : i32
      %dma_wait3A_209 = tpu.memref_slice %arg6[%dma_wait3A_206, %dma_wait3A_207, %dma_wait3A_208] : memref<4x128x128xf32, #tpu.memory_space<vmem>> -> memref<1x128x128xf32, #tpu.memory_space<vmem>>
      %dma_wait3A_210 = tpu.memref_squeeze %dma_wait3A_209 : memref<1x128x128xf32, #tpu.memory_space<vmem>> -> memref<128x128xf32, #tpu.memory_space<vmem>>
      %dma_wait3A_211 = arith.constant 0 : i32
      %dma_wait3A_212 = tpu.memref_slice %arg5[%dma_wait3A_205, %dma_wait3A_211] : memref<200x128xi32, #tpu.memory_space<vmem>> -> memref<1x128xi32, #tpu.memory_space<vmem>>
      %dma_wait3A_213 = tpu.memref_squeeze %dma_wait3A_212 : memref<1x128xi32, #tpu.memory_space<vmem>> -> memref<128xi32, #tpu.memory_space<vmem>>
      %dma_wait3A_214 = arith.constant 0 : i32
      %dma_wait3A_215 = arith.constant 0 : i32
      %dma_wait3A_216 = tpu.memref_slice %arg3[%dma_wait3A_214, %dma_wait3A_215] : memref<100000x128xf32, #tpu.memory_space<hbm>> -> memref<100000x128xf32, #tpu.memory_space<hbm>>
      tpu.wait_indirect_dma semaphore(%arg10 : memref<!tpu.dma_semaphore, #tpu.memory_space<semaphore_mem>>) src(%dma_wait3A_216 : memref<100000x128xf32, #tpu.memory_space<hbm>>) dst(%dma_wait3A_210 : memref<128x128xf32, #tpu.memory_space<vmem>>)
      %mul3A_217 = arith.constant 128 : i32
      %mul3A_218 = arith.muli %add3A_190, %mul3A_217 : i32
      %add3A_219 = arith.addi %mul3A_2, %mul3A_218 : i32
      %dma_start3A_220 = arith.constant 2 : i32
      %dma_start3A_221 = arith.constant 0 : i32
      %dma_start3A_222 = arith.constant 0 : i32
      %dma_start3A_223 = tpu.memref_slice %arg6[%dma_start3A_220, %dma_start3A_221, %dma_start3A_222] : memref<4x128x128xf32, #tpu.memory_space<vmem>> -> memref<1x128x128xf32, #tpu.memory_space<vmem>>
      %dma_start3A_224 = tpu.memref_squeeze %dma_start3A_223 : memref<1x128x128xf32, #tpu.memory_space<vmem>> -> memref<128x128xf32, #tpu.memory_space<vmem>>
      %dma_start3A_225 = arith.constant 0 : i32
      %dma_start3A_226 = tpu.memref_slice %arg4[%add3A_219, %dma_start3A_225] : memref<819200x128xf32, #tpu.memory_space<hbm>> -> memref<128x128xf32, #tpu.memory_space<hbm>>
      %dma_start3A_227 = arith.constant 0 : i32
      %dma_start3A_228 = tpu.memref_slice %arg4[%add3A_219, %dma_start3A_227] : memref<819200x128xf32, #tpu.memory_space<hbm>> -> memref<128x128xf32, #tpu.memory_space<hbm>>
      %dma_start3A_229 = arith.constant 0 : i32
      %dma_start3A_230 = arith.constant 0 : i32
      %dma_start3A_231 = tpu.memref_slice %arg6[%dma_start3A_220, %dma_start3A_229, %dma_start3A_230] : memref<4x128x128xf32, #tpu.memory_space<vmem>> -> memref<1x128x128xf32, #tpu.memory_space<vmem>>
      %dma_start3A_232 = tpu.memref_squeeze %dma_start3A_231 : memref<1x128x128xf32, #tpu.memory_space<vmem>> -> memref<128x128xf32, #tpu.memory_space<vmem>>
      tpu.enqueue_dma source(%dma_start3A_232 : memref<128x128xf32, #tpu.memory_space<vmem>>) target(%dma_start3A_228 : memref<128x128xf32, #tpu.memory_space<hbm>>) target_semaphore(%arg14 : memref<!tpu.dma_semaphore, #tpu.memory_space<semaphore_mem>>)
      %mul3A_233 = arith.constant 4 : i32
      %mul3A_234 = arith.muli %scan3A_91, %mul3A_233 : i32
      %add3A_235 = arith.constant 3 : i32
      %add3A_236 = arith.addi %mul3A_234, %add3A_235 : i32
      %ge3A_237 = arith.constant 2 : i32
      %ge3A_238 = arith.cmpi sge, %add3A_236, %ge3A_237 : i32
      %convert_element_type3A_239 = arith.extui %ge3A_238 : i1 to i32
      %cond3A_240 = arith.constant 0 : i32
      %cond3A_241 = arith.cmpi ne, %convert_element_type3A_239, %cond3A_240 : i32
      scf.if %cond3A_241 {
        %dma_wait3A_287 = arith.constant 1 : i32
        %dma_wait3A_288 = arith.constant 0 : i32
        %dma_wait3A_289 = arith.constant 0 : i32
        %dma_wait3A_290 = arith.constant 0 : i32
        %dma_wait3A_291 = tpu.memref_slice %arg6[%dma_wait3A_287, %dma_wait3A_289, %dma_wait3A_290] : memref<4x128x128xf32, #tpu.memory_space<vmem>> -> memref<1x128x128xf32, #tpu.memory_space<vmem>>
        %dma_wait3A_292 = tpu.memref_squeeze %dma_wait3A_291 : memref<1x128x128xf32, #tpu.memory_space<vmem>> -> memref<128x128xf32, #tpu.memory_space<vmem>>
        %dma_wait3A_293 = arith.constant 0 : i32
        %dma_wait3A_294 = arith.constant 0 : i32
        %dma_wait3A_295 = tpu.memref_slice %arg7[%arg1, %dma_wait3A_288, %dma_wait3A_293, %dma_wait3A_294] : memref<16x2x128x128xf32, #tpu.memory_space<vmem_shared>> -> memref<1x1x128x128xf32, #tpu.memory_space<vmem_shared>>
        %dma_wait3A_296 = tpu.memref_squeeze %dma_wait3A_295 : memref<1x1x128x128xf32, #tpu.memory_space<vmem_shared>> -> memref<128x128xf32, #tpu.memory_space<vmem_shared>>
        %dma_wait3A_297 = arith.constant 0 : i32
        %dma_wait3A_298 = arith.constant 0 : i32
        %dma_wait3A_299 = tpu.memref_slice %arg7[%arg1, %dma_wait3A_288, %dma_wait3A_297, %dma_wait3A_298] : memref<16x2x128x128xf32, #tpu.memory_space<vmem_shared>> -> memref<1x1x128x128xf32, #tpu.memory_space<vmem_shared>>
        %dma_wait3A_300 = tpu.memref_squeeze %dma_wait3A_299 : memref<1x1x128x128xf32, #tpu.memory_space<vmem_shared>> -> memref<128x128xf32, #tpu.memory_space<vmem_shared>>
        %dma_wait3A_301 = arith.constant 0 : i32
        %dma_wait3A_302 = arith.constant 0 : i32
        %dma_wait3A_303 = tpu.memref_slice %arg6[%dma_wait3A_287, %dma_wait3A_301, %dma_wait3A_302] : memref<4x128x128xf32, #tpu.memory_space<vmem>> -> memref<1x128x128xf32, #tpu.memory_space<vmem>>
        %dma_wait3A_304 = tpu.memref_squeeze %dma_wait3A_303 : memref<1x128x128xf32, #tpu.memory_space<vmem>> -> memref<128x128xf32, #tpu.memory_space<vmem>>
        tpu.wait_dma2 semaphore(%arg17 : memref<!tpu.dma_semaphore, #tpu.memory_space<semaphore_mem>>) src(%dma_wait3A_304 : memref<128x128xf32, #tpu.memory_space<vmem>>) dst(%dma_wait3A_300 : memref<128x128xf32, #tpu.memory_space<vmem_shared>>)
        %sub3A_305 = arith.constant 2 : i32
        %sub3A_306 = arith.subi %add3A_236, %sub3A_305 : i32
        %mul3A_307 = arith.constant 128 : i32
        %mul3A_308 = arith.muli %sub3A_306, %mul3A_307 : i32
        %add3A_309 = arith.addi %mul3A_2, %mul3A_308 : i32
        %dma_start3A_310 = arith.constant 0 : i32
        %dma_start3A_311 = arith.constant 0 : i32
        %dma_start3A_312 = tpu.memref_slice %arg4[%add3A_309, %dma_start3A_311] : memref<819200x128xf32, #tpu.memory_space<hbm>> -> memref<128x128xf32, #tpu.memory_space<hbm>>
        %dma_start3A_313 = arith.constant 0 : i32
        %dma_start3A_314 = arith.constant 0 : i32
        %dma_start3A_315 = tpu.memref_slice %arg7[%arg1, %dma_start3A_310, %dma_start3A_313, %dma_start3A_314] : memref<16x2x128x128xf32, #tpu.memory_space<vmem_shared>> -> memref<1x1x128x128xf32, #tpu.memory_space<vmem_shared>>
        %dma_start3A_316 = tpu.memref_squeeze %dma_start3A_315 : memref<1x1x128x128xf32, #tpu.memory_space<vmem_shared>> -> memref<128x128xf32, #tpu.memory_space<vmem_shared>>
        tpu.enqueue_dma source(%dma_start3A_316 : memref<128x128xf32, #tpu.memory_space<vmem_shared>>) target(%dma_start3A_312 : memref<128x128xf32, #tpu.memory_space<hbm>>) target_semaphore(%arg13 : memref<!tpu.dma_semaphore, #tpu.memory_space<semaphore_mem>>)
      } else {
      }
      %sub3A_242 = arith.constant 2 : i32
      %sub3A_243 = arith.subi %add3A_236, %sub3A_242 : i32
      %add3A_244 = arith.constant 4 : i32
      %add3A_245 = arith.addi %sub3A_243, %add3A_244 : i32
      %lt3A_246 = arith.constant 200 : i32
      %lt3A_247 = arith.cmpi slt, %add3A_245, %lt3A_246 : i32
      %convert_element_type3A_248 = arith.extui %lt3A_247 : i1 to i32
      %cond3A_249 = arith.constant 0 : i32
      %cond3A_250 = arith.cmpi ne, %convert_element_type3A_248, %cond3A_249 : i32
      scf.if %cond3A_250 {
        %sub3A_287 = arith.constant 2 : i32
        %sub3A_288 = arith.subi %add3A_236, %sub3A_287 : i32
        %add3A_289 = arith.constant 4 : i32
        %add3A_290 = arith.addi %sub3A_288, %add3A_289 : i32
        %dma_start3A_291 = arith.constant 1 : i32
        %dma_start3A_292 = arith.constant 0 : i32
        %dma_start3A_293 = arith.constant 0 : i32
        %dma_start3A_294 = tpu.memref_slice %arg6[%dma_start3A_291, %dma_start3A_292, %dma_start3A_293] : memref<4x128x128xf32, #tpu.memory_space<vmem>> -> memref<1x128x128xf32, #tpu.memory_space<vmem>>
        %dma_start3A_295 = tpu.memref_squeeze %dma_start3A_294 : memref<1x128x128xf32, #tpu.memory_space<vmem>> -> memref<128x128xf32, #tpu.memory_space<vmem>>
        %dma_start3A_296 = arith.constant 0 : i32
        %dma_start3A_297 = tpu.memref_slice %arg5[%add3A_290, %dma_start3A_296] : memref<200x128xi32, #tpu.memory_space<vmem>> -> memref<1x128xi32, #tpu.memory_space<vmem>>
        %dma_start3A_298 = tpu.memref_squeeze %dma_start3A_297 : memref<1x128xi32, #tpu.memory_space<vmem>> -> memref<128xi32, #tpu.memory_space<vmem>>
        %dma_start3A_299 = arith.constant 0 : i32
        %dma_start3A_300 = arith.constant 0 : i32
        %dma_start3A_301 = tpu.memref_slice %arg3[%dma_start3A_299, %dma_start3A_300] : memref<100000x128xf32, #tpu.memory_space<hbm>> -> memref<100000x128xf32, #tpu.memory_space<hbm>>
        tpu.enqueue_indirect_dma source(%dma_start3A_301 : memref<100000x128xf32, #tpu.memory_space<hbm>>) target(%dma_start3A_295 : memref<128x128xf32, #tpu.memory_space<vmem>>) offsets(%dma_start3A_298 : memref<128xi32, #tpu.memory_space<vmem>>) semaphore(%arg9 : memref<!tpu.dma_semaphore, #tpu.memory_space<semaphore_mem>>)
      } else {
      }
      %dma_wait3A_251 = arith.constant 0 : i32
      %dma_wait3A_252 = arith.constant 3 : i32
      %dma_wait3A_253 = arith.constant 0 : i32
      %dma_wait3A_254 = arith.constant 0 : i32
      %dma_wait3A_255 = tpu.memref_slice %arg6[%dma_wait3A_252, %dma_wait3A_253, %dma_wait3A_254] : memref<4x128x128xf32, #tpu.memory_space<vmem>> -> memref<1x128x128xf32, #tpu.memory_space<vmem>>
      %dma_wait3A_256 = tpu.memref_squeeze %dma_wait3A_255 : memref<1x128x128xf32, #tpu.memory_space<vmem>> -> memref<128x128xf32, #tpu.memory_space<vmem>>
      %dma_wait3A_257 = arith.constant 0 : i32
      %dma_wait3A_258 = tpu.memref_slice %arg5[%dma_wait3A_251, %dma_wait3A_257] : memref<200x128xi32, #tpu.memory_space<vmem>> -> memref<1x128xi32, #tpu.memory_space<vmem>>
      %dma_wait3A_259 = tpu.memref_squeeze %dma_wait3A_258 : memref<1x128xi32, #tpu.memory_space<vmem>> -> memref<128xi32, #tpu.memory_space<vmem>>
      %dma_wait3A_260 = arith.constant 0 : i32
      %dma_wait3A_261 = arith.constant 0 : i32
      %dma_wait3A_262 = tpu.memref_slice %arg3[%dma_wait3A_260, %dma_wait3A_261] : memref<100000x128xf32, #tpu.memory_space<hbm>> -> memref<100000x128xf32, #tpu.memory_space<hbm>>
      tpu.wait_indirect_dma semaphore(%arg11 : memref<!tpu.dma_semaphore, #tpu.memory_space<semaphore_mem>>) src(%dma_wait3A_262 : memref<100000x128xf32, #tpu.memory_space<hbm>>) dst(%dma_wait3A_256 : memref<128x128xf32, #tpu.memory_space<vmem>>)
      %ge3A_263 = arith.constant 4 : i32
      %ge3A_264 = arith.cmpi sge, %add3A_236, %ge3A_263 : i32
      %convert_element_type3A_265 = arith.extui %ge3A_264 : i1 to i32
      %cond3A_266 = arith.constant 0 : i32
      %cond3A_267 = arith.cmpi ne, %convert_element_type3A_265, %cond3A_266 : i32
      scf.if %cond3A_267 {
        %add3A_287 = arith.constant 0 : i32
        %add3A_288 = arith.addi %mul3A_2, %add3A_287 : i32
        %dma_wait3A_289 = arith.constant 1 : i32
        %dma_wait3A_290 = arith.constant 0 : i32
        %dma_wait3A_291 = tpu.memref_slice %arg4[%add3A_288, %dma_wait3A_290] : memref<819200x128xf32, #tpu.memory_space<hbm>> -> memref<128x128xf32, #tpu.memory_space<hbm>>
        %dma_wait3A_292 = arith.constant 0 : i32
        %dma_wait3A_293 = arith.constant 0 : i32
        %dma_wait3A_294 = tpu.memref_slice %arg7[%arg1, %dma_wait3A_289, %dma_wait3A_292, %dma_wait3A_293] : memref<16x2x128x128xf32, #tpu.memory_space<vmem_shared>> -> memref<1x1x128x128xf32, #tpu.memory_space<vmem_shared>>
        %dma_wait3A_295 = tpu.memref_squeeze %dma_wait3A_294 : memref<1x1x128x128xf32, #tpu.memory_space<vmem_shared>> -> memref<128x128xf32, #tpu.memory_space<vmem_shared>>
        tpu.wait_dma2 semaphore(%arg15 : memref<!tpu.dma_semaphore, #tpu.memory_space<semaphore_mem>>) src(%dma_wait3A_295 : memref<128x128xf32, #tpu.memory_space<vmem_shared>>) dst(%dma_wait3A_291 : memref<128x128xf32, #tpu.memory_space<hbm>>)
      } else {
      }
      %dma_start3A_268 = arith.constant 3 : i32
      %dma_start3A_269 = arith.constant 1 : i32
      %dma_start3A_270 = arith.constant 0 : i32
      %dma_start3A_271 = arith.constant 0 : i32
      %dma_start3A_272 = tpu.memref_slice %arg6[%dma_start3A_268, %dma_start3A_270, %dma_start3A_271] : memref<4x128x128xf32, #tpu.memory_space<vmem>> -> memref<1x128x128xf32, #tpu.memory_space<vmem>>
      %dma_start3A_273 = tpu.memref_squeeze %dma_start3A_272 : memref<1x128x128xf32, #tpu.memory_space<vmem>> -> memref<128x128xf32, #tpu.memory_space<vmem>>
      %dma_start3A_274 = arith.constant 0 : i32
      %dma_start3A_275 = arith.constant 0 : i32
      %dma_start3A_276 = tpu.memref_slice %arg7[%arg1, %dma_start3A_269, %dma_start3A_274, %dma_start3A_275] : memref<16x2x128x128xf32, #tpu.memory_space<vmem_shared>> -> memref<1x1x128x128xf32, #tpu.memory_space<vmem_shared>>
      %dma_start3A_277 = tpu.memref_squeeze %dma_start3A_276 : memref<1x1x128x128xf32, #tpu.memory_space<vmem_shared>> -> memref<128x128xf32, #tpu.memory_space<vmem_shared>>
      %dma_start3A_278 = arith.constant 0 : i32
      %dma_start3A_279 = arith.constant 0 : i32
      %dma_start3A_280 = tpu.memref_slice %arg7[%arg1, %dma_start3A_269, %dma_start3A_278, %dma_start3A_279] : memref<16x2x128x128xf32, #tpu.memory_space<vmem_shared>> -> memref<1x1x128x128xf32, #tpu.memory_space<vmem_shared>>
      %dma_start3A_281 = tpu.memref_squeeze %dma_start3A_280 : memref<1x1x128x128xf32, #tpu.memory_space<vmem_shared>> -> memref<128x128xf32, #tpu.memory_space<vmem_shared>>
      %dma_start3A_282 = arith.constant 0 : i32
      %dma_start3A_283 = arith.constant 0 : i32
      %dma_start3A_284 = tpu.memref_slice %arg6[%dma_start3A_268, %dma_start3A_282, %dma_start3A_283] : memref<4x128x128xf32, #tpu.memory_space<vmem>> -> memref<1x128x128xf32, #tpu.memory_space<vmem>>
      %dma_start3A_285 = tpu.memref_squeeze %dma_start3A_284 : memref<1x128x128xf32, #tpu.memory_space<vmem>> -> memref<128x128xf32, #tpu.memory_space<vmem>>
      tpu.enqueue_dma source(%dma_start3A_285 : memref<128x128xf32, #tpu.memory_space<vmem>>) target(%dma_start3A_281 : memref<128x128xf32, #tpu.memory_space<vmem_shared>>) target_semaphore(%arg19 : memref<!tpu.dma_semaphore, #tpu.memory_space<semaphore_mem>>)
      %scan3A_286 = arith.constant 0 : i32
      scf.yield %scan3A_286 : i32
    }
    %scan3A_31 = arith.constant 50 : i32
    %add3A_32 = arith.constant 0 : i32
    %add3A_33 = arith.addi %mul3A_2, %add3A_32 : i32
    %dma_wait3A = arith.constant 0 : i32
    %dma_wait3A_34 = arith.constant 0 : i32
    %dma_wait3A_35 = tpu.memref_slice %arg4[%add3A_33, %dma_wait3A_34] : memref<819200x128xf32, #tpu.memory_space<hbm>> -> memref<128x128xf32, #tpu.memory_space<hbm>>
    %dma_wait3A_36 = arith.constant 0 : i32
    %dma_wait3A_37 = arith.constant 0 : i32
    %dma_wait3A_38 = tpu.memref_slice %arg7[%arg1, %dma_wait3A, %dma_wait3A_36, %dma_wait3A_37] : memref<16x2x128x128xf32, #tpu.memory_space<vmem_shared>> -> memref<1x1x128x128xf32, #tpu.memory_space<vmem_shared>>
    %dma_wait3A_39 = tpu.memref_squeeze %dma_wait3A_38 : memref<1x1x128x128xf32, #tpu.memory_space<vmem_shared>> -> memref<128x128xf32, #tpu.memory_space<vmem_shared>>
    tpu.wait_dma2 semaphore(%arg13 : memref<!tpu.dma_semaphore, #tpu.memory_space<semaphore_mem>>) src(%dma_wait3A_39 : memref<128x128xf32, #tpu.memory_space<vmem_shared>>) dst(%dma_wait3A_35 : memref<128x128xf32, #tpu.memory_space<hbm>>)
    %add3A_40 = arith.constant 0 : i32
    %add3A_41 = arith.addi %mul3A_2, %add3A_40 : i32
    %dma_wait3A_42 = arith.constant 2 : i32
    %dma_wait3A_43 = arith.constant 0 : i32
    %dma_wait3A_44 = arith.constant 0 : i32
    %dma_wait3A_45 = tpu.memref_slice %arg6[%dma_wait3A_42, %dma_wait3A_43, %dma_wait3A_44] : memref<4x128x128xf32, #tpu.memory_space<vmem>> -> memref<1x128x128xf32, #tpu.memory_space<vmem>>
    %dma_wait3A_46 = tpu.memref_squeeze %dma_wait3A_45 : memref<1x128x128xf32, #tpu.memory_space<vmem>> -> memref<128x128xf32, #tpu.memory_space<vmem>>
    %dma_wait3A_47 = arith.constant 0 : i32
    %dma_wait3A_48 = tpu.memref_slice %arg4[%add3A_41, %dma_wait3A_47] : memref<819200x128xf32, #tpu.memory_space<hbm>> -> memref<128x128xf32, #tpu.memory_space<hbm>>
    %dma_wait3A_49 = arith.constant 0 : i32
    %dma_wait3A_50 = tpu.memref_slice %arg4[%add3A_41, %dma_wait3A_49] : memref<819200x128xf32, #tpu.memory_space<hbm>> -> memref<128x128xf32, #tpu.memory_space<hbm>>
    %dma_wait3A_51 = arith.constant 0 : i32
    %dma_wait3A_52 = arith.constant 0 : i32
    %dma_wait3A_53 = tpu.memref_slice %arg6[%dma_wait3A_42, %dma_wait3A_51, %dma_wait3A_52] : memref<4x128x128xf32, #tpu.memory_space<vmem>> -> memref<1x128x128xf32, #tpu.memory_space<vmem>>
    %dma_wait3A_54 = tpu.memref_squeeze %dma_wait3A_53 : memref<1x128x128xf32, #tpu.memory_space<vmem>> -> memref<128x128xf32, #tpu.memory_space<vmem>>
    tpu.wait_dma2 semaphore(%arg14 : memref<!tpu.dma_semaphore, #tpu.memory_space<semaphore_mem>>) src(%dma_wait3A_54 : memref<128x128xf32, #tpu.memory_space<vmem>>) dst(%dma_wait3A_50 : memref<128x128xf32, #tpu.memory_space<hbm>>)
    %dma_wait3A_55 = arith.constant 3 : i32
    %dma_wait3A_56 = arith.constant 1 : i32
    %dma_wait3A_57 = arith.constant 0 : i32
    %dma_wait3A_58 = arith.constant 0 : i32
    %dma_wait3A_59 = tpu.memref_slice %arg6[%dma_wait3A_55, %dma_wait3A_57, %dma_wait3A_58] : memref<4x128x128xf32, #tpu.memory_space<vmem>> -> memref<1x128x128xf32, #tpu.memory_space<vmem>>
    %dma_wait3A_60 = tpu.memref_squeeze %dma_wait3A_59 : memref<1x128x128xf32, #tpu.memory_space<vmem>> -> memref<128x128xf32, #tpu.memory_space<vmem>>
    %dma_wait3A_61 = arith.constant 0 : i32
    %dma_wait3A_62 = arith.constant 0 : i32
    %dma_wait3A_63 = tpu.memref_slice %arg7[%arg1, %dma_wait3A_56, %dma_wait3A_61, %dma_wait3A_62] : memref<16x2x128x128xf32, #tpu.memory_space<vmem_shared>> -> memref<1x1x128x128xf32, #tpu.memory_space<vmem_shared>>
    %dma_wait3A_64 = tpu.memref_squeeze %dma_wait3A_63 : memref<1x1x128x128xf32, #tpu.memory_space<vmem_shared>> -> memref<128x128xf32, #tpu.memory_space<vmem_shared>>
    %dma_wait3A_65 = arith.constant 0 : i32
    %dma_wait3A_66 = arith.constant 0 : i32
    %dma_wait3A_67 = tpu.memref_slice %arg7[%arg1, %dma_wait3A_56, %dma_wait3A_65, %dma_wait3A_66] : memref<16x2x128x128xf32, #tpu.memory_space<vmem_shared>> -> memref<1x1x128x128xf32, #tpu.memory_space<vmem_shared>>
    %dma_wait3A_68 = tpu.memref_squeeze %dma_wait3A_67 : memref<1x1x128x128xf32, #tpu.memory_space<vmem_shared>> -> memref<128x128xf32, #tpu.memory_space<vmem_shared>>
    %dma_wait3A_69 = arith.constant 0 : i32
    %dma_wait3A_70 = arith.constant 0 : i32
    %dma_wait3A_71 = tpu.memref_slice %arg6[%dma_wait3A_55, %dma_wait3A_69, %dma_wait3A_70] : memref<4x128x128xf32, #tpu.memory_space<vmem>> -> memref<1x128x128xf32, #tpu.memory_space<vmem>>
    %dma_wait3A_72 = tpu.memref_squeeze %dma_wait3A_71 : memref<1x128x128xf32, #tpu.memory_space<vmem>> -> memref<128x128xf32, #tpu.memory_space<vmem>>
    tpu.wait_dma2 semaphore(%arg19 : memref<!tpu.dma_semaphore, #tpu.memory_space<semaphore_mem>>) src(%dma_wait3A_72 : memref<128x128xf32, #tpu.memory_space<vmem>>) dst(%dma_wait3A_68 : memref<128x128xf32, #tpu.memory_space<vmem_shared>>)
    %add3A_73 = arith.constant 25472 : i32
    %add3A_74 = arith.addi %mul3A_2, %add3A_73 : i32
    %dma_start3A_75 = arith.constant 1 : i32
    %dma_start3A_76 = arith.constant 0 : i32
    %dma_start3A_77 = tpu.memref_slice %arg4[%add3A_74, %dma_start3A_76] : memref<819200x128xf32, #tpu.memory_space<hbm>> -> memref<128x128xf32, #tpu.memory_space<hbm>>
    %dma_start3A_78 = arith.constant 0 : i32
    %dma_start3A_79 = arith.constant 0 : i32
    %dma_start3A_80 = tpu.memref_slice %arg7[%arg1, %dma_start3A_75, %dma_start3A_78, %dma_start3A_79] : memref<16x2x128x128xf32, #tpu.memory_space<vmem_shared>> -> memref<1x1x128x128xf32, #tpu.memory_space<vmem_shared>>
    %dma_start3A_81 = tpu.memref_squeeze %dma_start3A_80 : memref<1x1x128x128xf32, #tpu.memory_space<vmem_shared>> -> memref<128x128xf32, #tpu.memory_space<vmem_shared>>
    tpu.enqueue_dma source(%dma_start3A_81 : memref<128x128xf32, #tpu.memory_space<vmem_shared>>) target(%dma_start3A_77 : memref<128x128xf32, #tpu.memory_space<hbm>>) target_semaphore(%arg15 : memref<!tpu.dma_semaphore, #tpu.memory_space<semaphore_mem>>)
    %add3A_82 = arith.constant 0 : i32
    %add3A_83 = arith.addi %mul3A_2, %add3A_82 : i32
    %dma_wait3A_84 = arith.constant 1 : i32
    %dma_wait3A_85 = arith.constant 0 : i32
    %dma_wait3A_86 = tpu.memref_slice %arg4[%add3A_83, %dma_wait3A_85] : memref<819200x128xf32, #tpu.memory_space<hbm>> -> memref<128x128xf32, #tpu.memory_space<hbm>>
    %dma_wait3A_87 = arith.constant 0 : i32
    %dma_wait3A_88 = arith.constant 0 : i32
    %dma_wait3A_89 = tpu.memref_slice %arg7[%arg1, %dma_wait3A_84, %dma_wait3A_87, %dma_wait3A_88] : memref<16x2x128x128xf32, #tpu.memory_space<vmem_shared>> -> memref<1x1x128x128xf32, #tpu.memory_space<vmem_shared>>
    %dma_wait3A_90 = tpu.memref_squeeze %dma_wait3A_89 : memref<1x1x128x128xf32, #tpu.memory_space<vmem_shared>> -> memref<128x128xf32, #tpu.memory_space<vmem_shared>>
    tpu.wait_dma2 semaphore(%arg15 : memref<!tpu.dma_semaphore, #tpu.memory_space<semaphore_mem>>) src(%dma_wait3A_90 : memref<128x128xf32, #tpu.memory_space<vmem_shared>>) dst(%dma_wait3A_86 : memref<128x128xf32, #tpu.memory_space<hbm>>)
    return
  }
}

</mosaic_0001>

<sc_bundles>
// kernel: kernel.3.cloned.1.call-start
scs
__scs_entry_jumppad:
0x0: {  	(pc) =	sbr.rel $0x88, $3  }
0x1: {  	(tag) =	ssettag $0x0;
	lr =	simm.s32 $0x1  }
0x2: {  	[smem:$0x3F9F] =	sst lr;
	_ =	strace $0xD0000000  }
0x3: {  	_ = 	snop  }
0x4: {  	_ = 	snop  }
0x5: {  	_ = 	snop  }
0x6: {  	_ = 	snop  }
0x7: {  	_ = 	snop  }
__scs_overlays_trampoline_lowered:
0x8: {  	[smem:$0x3FAE] =	sst s0  }
0x9: {  	[smem:$0x3FAF] =	sst s1  }
0xa: {  	[smem:$0x3FB0] =	sst s2  }
0xb: {  	[smem:$0x3FB1] =	sst s3  }
0xc: {  	[smem:$0x3FB2] =	sst s4  }
0xd: {  	[smem:$0x3FB3] =	sst s5  }
0xe: {  	[smem:$0x3FB4] =	sst s6  }
0xf: {  	[smem:$0x3FB5] =	sst s7  }
0x10: {  	[smem:$0x3FB6] =	sst s8  }
0x11: {  	[smem:$0x3FB7] =	sst s9;
	s0 =	simm.s32 @!p0 $0x0  }
0x12: {  	s1 =	sld [smem:$0x3F9D];
	s0 =	simm.s32 @p0 $0x1  }
0x13: {  	[smem:$0x3FB8] =	sst s0;
	s0 =	simm.s32 @!p1 $0x0  }
0x14: {  	s2 =	sld [smem:$0x3F9C];
	s0 =	simm.s32 @p1 $0x1  }
0x15: {  	[smem:$0x3FB9] =	sst s0;
	s0 =	simm.s32 @!p2 $0x0  }
0x16: {  	s3 =	sld [smem:$0x3FDB];
	s0 =	simm.s32 @p2 $0x1  }
0x17: {  	s4 =	simm.s32 $0x1BF5;
	[smem:$0x3FBB] =	sst s0  }
0x18: {  	s0 =	sld [smem:$0x3F9E];
	_ =	swait.ge [sflag:s4], $0x0  }
0x19: {  	s7 =	sld [smem:$0x3F9F]  }
0x1a: {  	s8 =	sadd.s32 $0xFFFFE003, lr  }
0x1b: {  	s9 =	sadd.s32 $0xFFFFFEF7, lr;
	s5 =	simm.s32 $0xFFFFFFFF;
	p2 =	slt.u32 s8, $0xFFFFF086  }
0x1c: {  	p1 =	slt.u32 s9, $0xF7A;
	s5 =	simm.s32 @!p2 $0x0  }
0x1d: {  	s5 =	simm.s32 @p1 $0x1;
	p0 =	seq.s32 s7, s2  }
0x1e: {  	s7 =	smul.u32 @!p0 $0xF7A, s2;
	p2 =	seq.s32 @!p0 s5, $0x0  }
0x1f: {  	s9 =	smul.u32 $0xF7A, s1;
	s8 =	simm.s32 @!p0 $0x1BF5;
	p2 =	por !p2, p0  }
0x20: {  	[sflag:s8] =	ssyncset.s32 @!p0 $0xFFFFF086;
	s6 =	sadd.s32 @!p0 s3, s7;
	s7 =	simm.s32 @!p0 $0x108  }
0x21: {  	s3 =	sadd.s32 s3, s9;
	s6 =	sadd.s32 @!p0 $0x88, s6;
	s7 =	simm.s32 @p2 $0x1082  }
0x22: {  	[simem:s7], [sflag:s8] =	dma.local @!p0 [hbm:s6], $0xF7A  }
0x23: {  	s9 =	sor.u32 $0xD0000000, s2;
	s6 =	simm.s32 $0x108;
	_ =	swait.ge @!p0 [sflag:s8], $0x0  }
0x24: {  	s3 =	sadd.s32 $0x88, s3;
	s6 =	simm.s32 @!p1 $0x1082;
	[sflag:s4] =	ssyncset.s32 $0xFFFFF086  }
0x25: {  	[simem:s6], [sflag:s4] =	dma.local [hbm:s3], $0xF7A  }
0x26: {  	[smem:$0x3F9F] =	sst s1;
	(tag) =	ssettag s2;
	_ =	strace s9  }
0x27: {  	s1 =	sld [smem:$0x3FAF]  }
0x28: {  	s2 =	sld [smem:$0x3FB0]  }
0x29: {  	s4 =	sld [smem:$0x3FB2]  }
0x2a: {  	p0 =	seq.s32 s5, $0x0;
	s5 =	sld [smem:$0x3FB3]  }
0x2b: {  	s6 =	sld [smem:$0x3FB4]  }
0x2c: {  	s7 =	sld [smem:$0x3FB5]  }
0x2d: {  	s3 =	simm.s32 $0x108;
	s8 =	sld [smem:$0x3FB6]  }
0x2e: {  	s3 =	simm.s32 @!p0 $0x1082;
	s9 =	sld [smem:$0x3FB7]  }
0x2f: {  	lr =	sadd.s32 s0, s3;
	s0 =	sld [smem:$0x3FAE]  }
0x30: {  	s3 =	sld [smem:$0x3FB1]  }
0x31: {  	[smem:$0x3FBA] =	sst s10  }
0x32: {  	s10 =	sld [smem:$0x3FB8];
	_ =	sdelay $0x3  }
0x33: {  	p0 =	seq.s32 s10, $0x1;
	s10 =	sld [smem:$0x3FBA];
	_ =	sdelay $0x3  }
0x34: {  	[smem:$0x3FBA] =	sst s10  }
0x35: {  	s10 =	sld [smem:$0x3FB9];
	_ =	sdelay $0x3  }
0x36: {  	p1 =	seq.s32 s10, $0x1;
	s10 =	sld [smem:$0x3FBA];
	_ =	sdelay $0x3  }
0x37: {  	[smem:$0x3FBA] =	sst s10  }
0x38: {  	s10 =	sld [smem:$0x3FBB]  }
0x39: {  	_ = 	snop;
	(pc) =	sbr.ind lr, $3  }
0x3a: {  	_ = 	snop  }
0x3b: {  	_ = 	snop  }
0x3c: {  	p2 =	seq.s32 s10, $0x1;
	s10 =	sld [smem:$0x3FBA]  }
0x3d: {  	_ =	shalt  }
0x3e: {  	_ =	shalt  }
0x3f: {  	_ =	shalt  }
0x40: {  	_ =	shalt  }
0x41: {  	_ =	shalt  }
0x42: {  	_ =	shalt  }
0x43: {  	_ =	shalt  }
0x44: {  	_ =	shalt  }
0x45: {  	_ =	shalt  }
0x46: {  	_ =	shalt  }
0x47: {  	_ =	shalt  }
0x48: {  	_ =	shalt  }
0x49: {  	_ =	shalt  }
0x4a: {  	_ =	shalt  }
0x4b: {  	_ =	shalt  }
0x4c: {  	_ =	shalt  }
0x4d: {  	_ =	shalt  }
0x4e: {  	_ =	shalt  }
0x4f: {  	_ =	shalt  }
0x50: {  	_ =	shalt  }
0x51: {  	_ =	shalt  }
0x52: {  	_ =	shalt  }
0x53: {  	_ =	shalt  }
0x54: {  	_ =	shalt  }
0x55: {  	_ =	shalt  }
0x56: {  	_ =	shalt  }
0x57: {  	_ =	shalt  }
0x58: {  	_ =	shalt  }
0x59: {  	_ =	shalt  }
0x5a: {  	_ =	shalt  }
0x5b: {  	_ =	shalt  }
0x5c: {  	_ =	shalt  }
0x5d: {  	_ =	shalt  }
0x5e: {  	_ =	shalt  }
0x5f: {  	_ =	shalt  }
0x60: {  	_ =	shalt  }
0x61: {  	_ =	shalt  }
0x62: {  	_ =	shalt  }
0x63: {  	_ =	shalt  }
0x64: {  	_ =	shalt  }
0x65: {  	_ =	shalt  }
0x66: {  	_ =	shalt  }
0x67: {  	_ =	shalt  }
0x68: {  	_ =	shalt  }
0x69: {  	_ =	shalt  }
0x6a: {  	_ =	shalt  }
0x6b: {  	_ =	shalt  }
0x6c: {  	_ =	shalt  }
0x6d: {  	_ =	shalt  }
0x6e: {  	_ =	shalt  }
0x6f: {  	_ =	shalt  }
0x70: {  	_ =	shalt  }
0x71: {  	_ =	shalt  }
0x72: {  	_ =	shalt  }
0x73: {  	_ =	shalt  }
0x74: {  	_ =	shalt  }
0x75: {  	_ =	shalt  }
0x76: {  	_ =	shalt  }
0x77: {  	_ =	shalt  }
0x78: {  	_ =	shalt  }
0x79: {  	_ =	shalt  }
0x7a: {  	_ =	shalt  }
0x7b: {  	_ =	shalt  }
0x7c: {  	_ =	shalt  }
0x7d: {  	_ =	shalt  }
0x7e: {  	_ =	shalt  }
0x7f: {  	_ =	shalt  }
0x80: {  	_ =	shalt  }
0x81: {  	_ =	shalt  }
0x82: {  	_ =	shalt  }
0x83: {  	_ =	shalt  }
0x84: {  	_ =	shalt  }
0x85: {  	_ =	shalt  }
0x86: {  	_ =	shalt  }
0x87: {  	_ =	shalt  }
.Lfunc_end0:
.L_simem_size_0:
called_computation_lowered:
.L_overlay_start_0:
0x88: {  	s2 =	sld [smem:$0x3FD9]  }
0x89: {  	s3 =	sld [smem:$0x3FFE];
	_ =	sdelay $0x1  }
0x8a: {  	s1 =	srdreg.scid  }
0x8b: {  	s0 =	sand.u32 $0x1, s1  }
0x8c: {  	s17 =	sshll.u32 s0, $0xA;
	s2 =	sadd.s32 s3, s2  }
0x8d: {  	s2 =	sadd.s32 s2, s17  }
0x8e: {  	[smem:$0x3FC6] =	sst s2  }
0x8f: {  	_ = 	snop  }
0x90: {  	s2 =	sld [smem:$0x3FC8]  }
0x91: {  	s18 =	sld [smem:$0x3FD0];
	(tm) =	ssettm $0x1  }
0x92: {  	s4 =	sld [smem:$0x3FFB];
	_ =	sdelay $0x3  }
0x93: {  	_ =	strace s4  }
0x94: {  	s4 =	sld [smem:$0x3FFC];
	_ =	sdelay $0x3  }
0x95: {  	_ =	strace s4  }
0x96: {  	s4 =	sld [smem:$0x3FFD];
	_ =	sdelay $0x3  }
0x97: {  	_ =	strace s4  }
0x98: {  	_ =	strace $0x8FFFFFFF  }
0x99: {  	s19 =	sld [smem:$0x3FDB];
	_ =	sdelay $0x1  }
0x9a: {  	s5 =	simm.s32 $_scs_section_size  }
0x9b: {  	s6 =	simm.s32 $_size__tile_overlayer_lowered;
	s7 =	simm.s32 $_tile_overlayer_lowered  }
0x9c: {  	s22 =	simm.s32 $0x1BFF;
	s21 =	sshll.u32 s7, $0x1;
	s4 =	sadd.s32 s5, s19  }
0x9d: {  	s8 =	simm.s32 $0x0;
	s20 =	sshll.u32 s6, $0x1;
	s6 =	sadd.s32 s21, s4  }
0x9e: {  	[timem:s8], [sflag:s22] =	dma.local [hbm:s6], s20  }
0x9f: {  	_ =	swait.ge [sflag:s22], s20  }
0xa0: {  	s5 =	ssub.s32 $0x0, s20;
	[sflag:s22] =	ssyncset.done $0x0  }
0xa1: {  	[sflag:s22] =	ssyncadd.s32 s5;
	_ =	sdelay $0x1  }
0xa2: {  	s23 =	simm.s32 $0x1B8B  }
0xa3: {  	_ =	swait.ge [sflag:s23], $0x1  }
0xa4: {  	[sflag:s23] =	ssyncset.done $0x0  }
0xa5: {  	s25 =	simm.s32 $0x1B8E;
	s24 =	sld [smem:$0x3FFE];
	[sflag:s23] =	ssyncadd.s32 $0xFFFFFFFF  }
0xa6: {  	s26 =	simm.s32 $execute0_lowered;
	[smem:$0x3FD2] =	sst s25  }
0xa7: {  	s6 =	sshll.u32 s26, $0x1;
	_ =	strace $0x80000046;
	[dreg:$0x1] =	wrdreg $0xFFFFFFFF  }
0xa8: {  	s28 =	simm.s32 $_size_execute0_lowered;
	s4 =	sadd.s32 s4, s6;
	[dreg:$0x0] =	wrdreg $0x0  }
0xa9: {  	s6 =	sshll.u32 s28, $0x1;
	[dreg:$0x2] =	wrdreg s4  }
0xaa: {  	[dreg:$0x3] =	wrdreg s6  }
0xab: {  	[dreg:$0x4] =	wrdreg $0xC0  }
0xac: {  	_ =	task [dreg:s8], $0x5FFFF  }
0xad: {  	[dreg:$0x1] =	wrdreg $0xFFFFFFFF  }
0xae: {  	[dreg:$0x0] =	wrdreg $0x60  }
0xaf: {  	[dreg:$0x2] =	wrdreg s24  }
0xb0: {  	[dreg:$0x3] =	wrdreg s2  }
0xb1: {  	[dreg:$0x4] =	wrdreg s18  }
0xb2: {  	[dreg:$0x5] =	wrdreg $0x164000  }
0xb3: {  	[dreg:$0x6] =	wrdreg $0x9  }
0xb4: {  	_ =	task.clear_ibuf [dreg:s8], $0x7FFFF;
	_ =	strace $0x90000046  }
0xb5: {  	s29 =	simm.s32 $0x9;
	_ =	strace $0x80000048  }
0xb6: {  	_ =	swait.ge [sflag:s29], $0x1  }
0xb7: {  	[sflag:s29] =	ssyncadd.s32 $0xFFFFFFFF  }
0xb8: {  	_ =	strace $0x90000048  }
0xb9: {  	_ =	sfence  }
0xba: {  	s30 =	sld [smem:$0x0];
	_ =	sdelay $0x2  }
0xbb: {  	s31 =	sshll.u32 s1, $0xD;
	s1 =	sshrl.u32 s1, $0x2  }
0xbc: {  	s3 =	sand.u32 $0x4000, s31;
	s1 =	sadd.s32 s1, s30  }
0xbd: {  	s0 =	sor.u32 s3, s0;
	s1 =	sshll.u32 s1, $0x11  }
0xbe: {  	s0 =	sor.u32 s1, s0  }
0xbf: {  	s0 =	sadd.s32 $0x8F2B, s0  }
0xc0: {  	[sflag:s0] =	ssyncadd.remote.s32 $0x1  }
0xc1: {  	_ =	sfence.sel $0xFFFF  }
0xc2: {  	[dreg:$0x0] =	wrdreg $0xFFFFFFFF;
	(pc) =	sbr.abs _section_cstart, $3  }
0xc3: {  	[dreg:$0x1] =	wrdreg $0xFFFFFFFF  }
0xc4: {  	_ =	task.clear_ibuf [dreg:s8], $0x2FFFF;
	_ =	strace $0x9FFFFFFF  }
0xc5: {  	(tm) =	ssettm $0x7FFFFFFF  }
tec
execute0_lowered:
.L_overlay_start_1:
0x0: {  	(tag) =	ssettag $0x1  }
0x1: {  	s2 =	rddreg [dreg:$0x0]  }
0x2: {  	s1 =	rddreg [dreg:$0x1];
	s3 =	srdreg.scid  }
0x3: {  	s0 =	stileid.u32;
	s4 =	rddreg [dreg:$0x2]  }
0x4: {  	s5 =	rddreg [dreg:$0x3];
	s13 =	simm.s32 $0x80;
	s14 =	simm.s32 $0x6400  }
0x5: {  	s15 =	simm.s32 $0xA400;
	s16 =	simm.s32 $0xE400;
	s17 =	simm.s32 $0x1  }
0x6: {  	s18 =	simm.s32 $0x12400;
	s28 =	simm.s32 $0x8;
	s29 =	simm.s32 $0x6  }
0x7: {  	s30 =	simm.s32 $0x7;
	s31 =	simm.s32 $0xA;
	s7 =	sand.u32 $0x1, s3  }
0x8: {  	s19 =	sshll.u32 s0, $0x1;
	s3 =	simm.s32 $0x0;
	s22 =	smul.u32 $0x640000, s0  }
0x9: {  	s21 =	sshll.u32 s0, $0xF;
	s24 =	smul.u32 $0xC8000, s0;
	s26 =	sshll.u32 s0, $0x6  }
0xa: {  	s6 =	sor.u32 s7, s19;
	[smem:$0x7FF] =	sst s3;
	s10 =	smul.u32 $0x320000, s7  }
0xb: {  	s9 =	ssub.s32 $0x2, s7;
	s5 =	sadd.s32 s21, s5;
	s7 =	smul.u32 $0x64000, s7  }
0xc: {  	s19 =	simm.s32 $0x2;
	s21 =	simm.s32 $0x3;
	s8 =	smul.u32 $0xC80, s6  }
0xd: {  	s20 =	sshrl.u32 s9, $0x1;
	s6 =	smul.u32 $0x320000, s6;
	_ =	strace $0x80000047  }
0xe: {  	[dreg:$0x8] =	wrdreg s26;
	s2 =	sadd.s32 s8, s2;
	s8 =	ssub.s32 s9, s20  }
0xf: {  	s6 =	sshrl.u32 s6, $0x3;
	s9 =	sadd.s32 s10, s22;
	s20 =	simm.s32 $0x5  }
0x10: {  	s2 =	sadd.s32 $0x400, s2;
	s23 =	sadd.s32 s4, s6;
	s6 =	sadd.s32 $0x4000, s5  }
0x11: {  	s8 =	smax.u32 s8, $0x1;
	s10 =	sshrl.u32 s9, $0x3;
	s11 =	sor.u32 $0x8000, s9  }
.Ltmp0:
0x12: {  	[dreg:$0x5] =	wrdreg s2;
	s2 =	sadd.s32 $0x63800, s23;
	(pc) =	sbr.rel .LBB2_1-.Ltmp0, $4  }
0x13: {  	[dreg:$0x7] =	wrdreg s8;
	s10 =	sadd.s32 s10, s4;
	s25 =	sshrl.u32 s11, $0x3  }
0x14: {  	s23 =	simm.s32 $0x9;
	[dreg:$0x6] =	wrdreg s2;
	s2 =	sadd.s32 s24, s4  }
0x15: {  	s11 =	sadd.s32 s25, s4;
	s24 =	sor.u32 $0x1C06, s26;
	s25 =	sshrl.u32 s5, $0x3  }
0x16: {  	s26 =	simm.s32 $0x4;
	s9 =	sadd.s32 s7, s2;
	s2 =	simm.s32 $0x0  }
.LBB2_7:
0x17: {  	_ =	swait.ge [sflag:s29], $0x800  }
0x18: {  	[sflag:s29] =	ssyncset.done $0x0  }
0x19: {  	[sflag:s29] =	ssyncadd.s32 $0xFFFFF800  }
0x1a: {  	_ =	swait.ge [sflag:s30], $0x4000  }
0x1b: {  	[sflag:s30] =	ssyncset.done $0x0  }
0x1c: {  	[sflag:s30] =	ssyncadd.s32 $0xFFFFC000  }
0x1d: {  	_ =	swait.ge [sflag:s31], $0x4000  }
0x1e: {  	s7 =	sshrl.u32 s6, $0x3;
	[sflag:s31] =	ssyncset.done $0x0;
	s4 =	rddreg [dreg:$0x8]  }
0x1f: {  	s8 =	rddreg [dreg:$0x6];
	[sflag:s31] =	ssyncadd.s32 $0xFFFFC000;
	s4 =	sor.u32 $0x1C08, s4  }
0x20: {  	[hbm:s8], [sflag:s4] =	dma.local [spmem:s7], $0x800  }
0x21: {  	_ =	swait.ge [sflag:s28], $0x800  }
0x22: {  	s2 =	sadd.s32 $0x1, s2;
	s22 =	rddreg [dreg:$0x7]  }
0x23: {  	p0 =	sne.s32 s2, s22  }
.Ltmp1:
0x24: {  	_ = 	snop;
	(pc) =	sbr.rel @!p0 .LBB2_8-.Ltmp1, $3  }
0x25: {  	_ =	sdelay $0x1  }
0x26: {  	[sflag:s28] =	ssyncset.done $0x0  }
0x27: {  	[sflag:s28] =	ssyncadd.s32 $0xFFFFF800  }
.LBB2_1:
0x28: {  	s4 =	rddreg [dreg:$0x5];
	s22 =	simm.s32 $0xB  }
0x29: {  	[tilespmem:s3], [sflag:$0xB] =	stream.linear.gather [hbm4b:s4+s3], $0x6400, $0x38;
	[tilespmem:$0x1E400] =	vst v63  }
0x2a: {  	_ =	swait.ge [sflag:s22], $0x6400  }
.Ltmp2:
0x2b: {  	[sflag:s22] =	ssyncset.done $0x0;
	(pc) =	sbr.rel .LBB2_2-.Ltmp2, $4  }
0x2c: {  	[sflag:s22] =	ssyncadd.s32 $0xFFFF9C00  }
0x2d: {  	[tilespmem:s14], [sflag:$0x1] =	stream.indirect.gather [hbm4b:s1+s13], $0x80, s3, s13, $0xb8;
	[tilespmem:$0x1E400] =	vst v63  }
0x2e: {  	s7 =	simm.s32 $0x0;
	s4 =	simm.s32 $0x280  }
0x2f: {  	[tilespmem:s15], [sflag:$0x2] =	stream.indirect.gather [hbm4b:s1+s13], $0x80, s13, s13, $0xb8;
	[tilespmem:$0x1E400] =	vst v63  }
.LBB2_3:
0x30: {  	_ =	swait.ge [sflag:s26], $0x4000  }
0x31: {  	[sflag:s26] =	ssyncset.done $0x0  }
0x32: {  	[sflag:s26] =	ssyncadd.s32 $0xFFFFC000  }
.LBB2_5:
0x33: {  	_ =	swait.ge [sflag:s28], $0x800  }
0x34: {  	[sflag:s28] =	ssyncset.done $0x0  }
0x35: {  	[sflag:s28] =	ssyncadd.s32 $0xFFFFF800  }
.LBB2_6:
0x36: {  	s7 =	sadd.s32 $0x2000, s7  }
0x37: {  	p0 =	sne.s32 s7, $0x64000  }
.Ltmp3:
0x38: {  	_ = 	snop;
	(pc) =	sbr.rel @!p0 .LBB2_7-.Ltmp3, $3  }
0x39: {  	_ =	sdelay $0x1  }
0x3a: {  	[spmem:s6] =	stream.linear.scatter [tilespmem:s18], [sflag:$0xA], $0x4000, $0x38;
	[tilespmem:$0x1E400] =	vst v63  }
0x3b: {  	s4 =	sadd.s32 $0x200, s4  }
.LBB2_2:
0x3c: {  	p0 =	seq.s32 s7, $0x0  }
0x3d: {  	s8 =	simm.s32 @!p0 $0x7  }
0x3e: {  	_ =	swait.ge @!p0 [sflag:s8], $0x4000  }
0x3f: {  	[sflag:s8] =	ssyncset.done @!p0 $0x0  }
0x40: {  	s22 =	sadd.s32 $0xFFFFFE80, s4;
	[sflag:s8] =	ssyncadd.s32 @!p0 $0xFFFFC000  }
0x41: {  	[tilespmem:s16], [sflag:$0x3] =	stream.indirect.gather [hbm4b:s1+s13], $0x80, s22, s13, $0xb8;
	[tilespmem:$0x1E400] =	vst v63  }
0x42: {  	_ =	swait.ge [sflag:s17], $0x4000  }
0x43: {  	[sflag:s17] =	ssyncset.done $0x0  }
0x44: {  	s12 =	sadd.s32 s7, s10;
	s8 =	simm.s32 @!p0 $0xA;
	[sflag:s17] =	ssyncadd.s32 $0xFFFFC000  }
0x45: {  	[hbm4b:s12+s3] =	stream.linear.scatter [tilespmem:s14], [sflag:$0x5], $0x4000, $0x38;
	[tilespmem:$0x1E400] =	vst v63  }
0x46: {  	_ =	swait.ge @!p0 [sflag:s8], $0x4000  }
0x47: {  	[sflag:s8] =	ssyncset.done @!p0 $0x0  }
0x48: {  	s22 =	sshll.u32 @!p0 s0, $0x6;
	[sflag:s8] =	ssyncadd.s32 @!p0 $0xFFFFC000;
	s8 =	sadd.s32 @!p0 s7, s9  }
0x49: {  	s22 =	sor.u32 @!p0 $0x1C08, s22;
	s12 =	sshrl.u32 @!p0 s6, $0x3;
	s8 =	sadd.s32 @!p0 $0xFFFFF800, s8  }
0x4a: {  	[hbm:s8], [sflag:s22] =	dma.local @!p0 [spmem:s12], $0x800  }
0x4b: {  	s22 =	sadd.s32 $0xFFFFFF00, s4  }
0x4c: {  	[tilespmem:s18], [sflag:$0x4] =	stream.indirect.gather [hbm4b:s1+s13], $0x80, s22, s13, $0xb8;
	[tilespmem:$0x1E400] =	vst v63  }
0x4d: {  	_ =	swait.ge [sflag:s19], $0x4000  }
0x4e: {  	[sflag:s19] =	ssyncset.done $0x0  }
0x4f: {  	s8 =	simm.s32 @!p0 $0x6;
	[sflag:s19] =	ssyncadd.s32 $0xFFFFC000  }
0x50: {  	_ =	swait.ge @!p0 [sflag:s8], $0x800  }
0x51: {  	[sflag:s8] =	ssyncset.done @!p0 $0x0  }
0x52: {  	[sflag:s8] =	ssyncadd.s32 @!p0 $0xFFFFF800  }
0x53: {  	[spmem:s5] =	stream.linear.scatter [tilespmem:s15], [sflag:$0x9], $0x4000, $0x38;
	[tilespmem:$0x1E400] =	vst v63  }
0x54: {  	p1 =	seq.s32 s7, $0x62000;
	_ =	swait.ge [sflag:s20], $0x4000  }
0x55: {  	s12 =	simm.s32 @!p1 $0x80;
	[sflag:s20] =	ssyncset.done $0x0  }
0x56: {  	s22 =	simm.s32 @!p1 $0x6400;
	s8 =	sadd.s32 @!p1 $0xFFFFFF80, s4;
	[sflag:s20] =	ssyncadd.s32 $0xFFFFC000  }
0x57: {  	[tilespmem:s22], [sflag:$0x1] =	stream.indirect.gather @!p1 [hbm4b:s1+s12], $0x80, s8, s12, $0xb8;
	[tilespmem:$0x1E400] =	vst v63  }
0x58: {  	_ =	swait.ge [sflag:s21], $0x4000  }
0x59: {  	[sflag:s21] =	ssyncset.done $0x0  }
0x5a: {  	s12 =	sadd.s32 s7, s11;
	p1 =	sne.s32 s7, $0x62000;
	[sflag:s21] =	ssyncadd.s32 $0xFFFFC000  }
0x5b: {  	[hbm4b:s12+s3] =	stream.linear.scatter [tilespmem:s16], [sflag:$0x7], $0x4000, $0x38;
	[tilespmem:$0x1E400] =	vst v63  }
.Ltmp4:
0x5c: {  	_ = 	snop;
	(pc) =	sbr.rel @!p1 .LBB2_3-.Ltmp4, $4  }
0x5d: {  	_ =	swait.ge [sflag:s23], $0x4000  }
0x5e: {  	s22 =	sadd.s32 s7, s9;
	[sflag:s23] =	ssyncset.done $0x0  }
0x5f: {  	s8 =	sadd.s32 $0x800, s22;
	[sflag:s23] =	ssyncadd.s32 $0xFFFFC000  }
0x60: {  	[hbm:s8], [sflag:s24] =	dma.local [spmem:s25], $0x800  }
0x61: {  	[tilespmem:s15], [sflag:$0x2] =	stream.indirect.gather [hbm4b:s1+s13], $0x80, s4, s13, $0xb8;
	[tilespmem:$0x1E400] =	vst v63  }
.Ltmp5:
0x62: {  	_ = 	snop;
	(pc) =	sbr.rel @!p0 .LBB2_5-.Ltmp5, $4  }
.Ltmp6:
0x63: {  	_ = 	snop;
	(pc) =	sbr.rel @p0 .LBB2_6-.Ltmp6, $4  }
0x64: {  	_ =	swait.ge [sflag:s26], $0x4000  }
0x65: {  	[sflag:s26] =	ssyncset.done $0x0  }
0x66: {  	[sflag:s26] =	ssyncadd.s32 $0xFFFFC000  }
0x67: {  	_ = 	snop  }
.LBB2_8:
0x68: {  	_ =	sfence.sel $0x180000  }
0x69: {  	[bflag:$0x0] =	sbarrier.arrive $0xFFFF  }
0x6a: {  	_ =	strace $0x90000047  }
0x6b: {  	[bflag:$0x2] =	sbarrier.arrive $0xFFFF  }
0x6c: {  	p0 =	sne.s32 s0, $0x0;
	s0 =	rddreg [dreg:$0x4]  }
0x6d: {  	s0 =	sadd.s32 @!p0 $0x100000, s0  }
0x6e: {  	[sflag:s0] =	ssyncadd.tile.s32 @!p0 $0x1;
	_ =	shalt  }
.Lfunc_end2:
_tile_overlayer_lowered:
.L_overlay_start_2:
0x6f: {  	(tag) =	ssettag $0x2  }
0x70: {  	s0 =	rddreg [dreg:$0x0];
	s2 =	stileid.u32  }
0x71: {  	s1 =	rddreg [dreg:$0x1];
	p0 =	sne.s32 s2, $0x0  }
0x72: {  	s3 =	rddreg [dreg:$0x2];
	[bflag:$0x3] =	sbarrier.arrive $0xFFFF;
	s2 =	simm.s32 @!p0 $0x1C0B  }
0x73: {  	[timem:s3], [sflag:s2] =	dma.local @!p0 [hbm:s0], s1  }
0x74: {  	s0 =	simm.s32 @!p0 $0xB  }
0x75: {  	_ =	swait.ge @!p0 [sflag:s0], s1  }
0x76: {  	s1 =	ssub.s32 @!p0 $0x0, s1;
	[sflag:s0] =	ssyncset.done @!p0 $0x0  }
0x77: {  	[sflag:s0] =	ssyncadd.s32 @!p0 s1  }
0x78: {  	[bflag:$0x3] =	sbarrier.arrive $0xFFFF  }
0x79: {  	_ =	shalt  }

</sc_bundles>
